<compile_context>
chip_gen: v7x
topology: tpu7x:2x2x1
jax: 0.10.2.dev20260603
libtpu: 0.0.44.dev20260713+nightly
codegen_flags: <defaults>
</compile_context>

<pallas_src>
import functools

import jax
import jax.numpy as jnp
from jax import lax
from jax.experimental import pallas as pl
from jax.experimental.pallas import tpu as pltpu
from jax.experimental.pallas import tpu_sc as plsc

_NC = 2
_NS = 16
_NW = _NC * _NS
_LANES = 16

_CHUNK = 64
_NCHUNKS = 160
_PER_W = _CHUNK * _NCHUNKS
_GROUPS = _CHUNK // _LANES


def _matmul_tc(x, w):
    n, d_in = x.shape
    d_out = w.shape[1]
    blk = 1000
    assert n % blk == 0

    def body(x_ref, w_ref, o_ref):
        o_ref[...] = jnp.dot(x_ref[...].astype(jnp.bfloat16),
                             w_ref[...].astype(jnp.bfloat16),
                             preferred_element_type=jnp.float32)

    return pl.pallas_call(
        body,
        grid=(n // blk,),
        in_specs=[
            pl.BlockSpec((blk, d_in), lambda i: (i, 0)),
            pl.BlockSpec((d_in, d_out), lambda i: (0, 0)),
        ],
        out_specs=pl.BlockSpec((blk, d_out), lambda i: (i, 0)),
        out_shape=jax.ShapeDtypeStruct((n, d_out), jnp.float32),
    )(x, w)


def _edge_weights_sc(h, src_3d, dst_3d, a_bcast):
    n, d = h.shape
    assert d == 128
    n_stagers = 10
    assert n % n_stagers == 0
    rows_per_tile = n // n_stagers
    assert rows_per_tile % 8 == 0
    e_pad = _NW * _PER_W

    mesh = plsc.VectorSubcoreMesh(core_axis_name="c", subcore_axis_name="s")

    @functools.partial(
        pl.kernel,
        mesh=mesh,
        compiler_params=pltpu.CompilerParams(needs_layout_passes=False),
        out_type=jax.ShapeDtypeStruct((e_pad,), jnp.float32),
        scratch_types=[
            pltpu.VMEM((2, _CHUNK), jnp.int32),
            pltpu.VMEM((2, _CHUNK), jnp.int32),
            pltpu.VMEM((_CHUNK, 128), jnp.float32),
            pltpu.VMEM((_CHUNK, 128), jnp.float32),
            pltpu.VMEM((_CHUNK, 128), jnp.float32),
            pltpu.VMEM((_CHUNK, 128), jnp.float32),
            pltpu.VMEM((2, _CHUNK), jnp.float32),
            pltpu.VMEM((128, _LANES), jnp.float32),
            pltpu.VMEM_SHARED((n, 128), jnp.float32),
            pltpu.SemaphoreType.DMA,
            pltpu.SemaphoreType.DMA,
            pltpu.SemaphoreType.DMA,
            pltpu.SemaphoreType.DMA,
            pltpu.SemaphoreType.DMA,
            pltpu.SemaphoreType.DMA,
            pltpu.SemaphoreType.DMA,
            pltpu.SemaphoreType.DMA,
        ],
    )
    def edge_kernel(h_hbm, src_hbm, dst_hbm, a_hbm, out_hbm,
                    sidx, didx, srows0, drows0, srows1, drows1,
                    obuf, a_v, h_sh,
                    ss0, sd0, ss1, sd1, si0, si1, so0, so1):
        sid = lax.axis_index("s")
        wid = sid * _NC + lax.axis_index("c")
        base = wid * _PER_W

        @pl.when(sid < n_stagers)
        def stage():
            row0 = sid * rows_per_tile
            pltpu.sync_copy(h_hbm.at[pl.ds(row0, rows_per_tile)],
                            h_sh.at[pl.ds(row0, rows_per_tile)])
        pltpu.sync_copy(a_hbm, a_v)
        plsc.subcore_barrier()

        rbufs = ((srows0, drows0, ss0, sd0), (srows1, drows1, ss1, sd1))
        isems = (si0, si1)
        osems = (so0, so1)
        eids = [lax.iota(jnp.int32, _LANES) + g * _LANES
                for g in range(_GROUPS)]
        iot = lax.iota(jnp.int32, _LANES)

        def idx_copy(cc, b):
            lo = base + cc * _CHUNK
            c1 = pltpu.make_async_copy(
                src_hbm.at[pl.ds(lo, _CHUNK)], sidx.at[b], isems[b])
            c2 = pltpu.make_async_copy(
                dst_hbm.at[pl.ds(lo, _CHUNK)], didx.at[b], isems[b])
            return c1, c2

        def gather_copy(b):
            srows, drows, ss, sd = rbufs[b]
            c1 = pltpu.make_async_copy(h_sh.at[sidx.at[b]], srows, ss)
            c2 = pltpu.make_async_copy(h_sh.at[didx.at[b]], drows, sd)
            return c1, c2

        def out_copy(cc, b):
            lo = base + cc * _CHUNK
            return pltpu.make_async_copy(
                obuf.at[b], out_hbm.at[pl.ds(lo, _CHUNK)], osems[b])

        for c1, c2 in (idx_copy(0, 0), idx_copy(1, 1)):
            c1.start()
            c2.start()
        for c in idx_copy(0, 0):
            c.wait()
        for c in gather_copy(0):
            c.start()

        @pl.loop(0, _NCHUNKS, step=2)
        def chunk_loop(c):
            for b in range(2):
                cc = c + b

                @pl.when(cc + 1 < _NCHUNKS)
                def start_next():
                    for cp in idx_copy(cc + 1, 1 - b):
                        cp.wait()
                    for cp in gather_copy(1 - b):
                        cp.start()

                for cp in gather_copy(b):
                    cp.wait()

                def kbody(kk, accs):
                    kv = (iot + kk) & 127
                    ak = a_v[kk]
                    new = []
                    srows, drows = rbufs[b][0], rbufs[b][1]
                    for g in range(_GROUPS):
                        vs = plsc.load_gather(srows, [eids[g], kv])
                        vd = plsc.load_gather(drows, [eids[g], kv])
                        di = jnp.abs(vs - vd)
                        u = plsc.bitcast(di, jnp.int32)
                        db = plsc.bitcast(
                            (u + 0x8000) & jnp.int32(-65536), jnp.float32)
                        new.append(accs[g] + db * ak)
                    return tuple(new)

                @pl.when(cc >= 2)
                def drain_out():
                    out_copy(cc - 2, b).wait()

                accs = lax.fori_loop(
                    0, 128, kbody,
                    tuple(jnp.zeros((_LANES,), jnp.float32)
                          for _ in range(_GROUPS)),
                    unroll=4)
                for g in range(_GROUPS):
                    obuf[b, pl.ds(g * _LANES, _LANES)] = (
                        jnp.maximum(accs[g], 0.0))
                out_copy(cc, b).start()

                @pl.when(cc + 2 < _NCHUNKS)
                def refill_idx():
                    for cp in idx_copy(cc + 2, b):
                        cp.start()

        out_copy(_NCHUNKS - 2, 0).wait()
        out_copy(_NCHUNKS - 1, 1).wait()

    return edge_kernel(h, src_3d, dst_3d, a_bcast)


def kernel(inputs, edge, weight, a):
    h = _matmul_tc(inputs, weight)
    e = edge.shape[1]
    e_pad = _NW * _PER_W
    edge_i = jnp.asarray(edge, jnp.int32)
    edge_p = jnp.pad(edge_i, ((0, 0), (0, e_pad - e)))
    src_3d = edge_p[0]
    dst_3d = edge_p[1]
    au = lax.bitcast_convert_type(
        a.reshape(-1).astype(jnp.float32), jnp.int32)
    ar = (au + 0x7FFF + ((au >> 16) & 1)) & jnp.int32(-65536)
    a_rounded = lax.bitcast_convert_type(ar, jnp.float32)
    rot = (jnp.arange(128)[:, None] + jnp.arange(_LANES)[None, :]) % 128
    a_bcast = a_rounded[rot]
    ew_pad = _edge_weights_sc(h, src_3d, dst_3d, a_bcast)
    return (h, ew_pad[:e])

# --- scband reference (transcript-rebuilt; emitter-appended) ---
"""Pipeline reference for scband-sparse-graph-learn-781684048180 (READ-ONLY COPY).

The authoritative reference and input builder live on the scoring server;
editing this copy changes nothing except your own understanding.
"""

import jax, jax.numpy as jnp
import numpy as np

N = 10000
E = 320000
D_IN = 128
D_OUT = 128

def setup_inputs(seed: int = 0) -> dict:
    key = jax.random.key(seed)
    k1, k2, k3, k4 = jax.random.split(key, 4)
    inputs = jax.random.normal(k1, (N, D_IN), dtype=jnp.float32)
    edge = jax.random.randint(k2, (2, E), 0, N, dtype=jnp.int64)
    # xavier_uniform for weight [D_IN, D_OUT]
    limit_w = float(np.sqrt(6.0 / (D_IN + D_OUT)))
    weight = jax.random.uniform(k3, (D_IN, D_OUT), dtype=jnp.float32, minval=-limit_w, maxval=limit_w)
    # xavier_uniform for a [D_OUT, 1]
    limit_a = float(np.sqrt(6.0 / (D_OUT + 1)))
    a = jax.random.uniform(k4, (D_OUT, 1), dtype=jnp.float32, minval=-limit_a, maxval=limit_a)
    return {"inputs": inputs, "edge": edge, "weight": weight, "a": a}

def reference(inputs, edge, weight, a):
    # h = inputs @ weight
    h = jnp.matmul(inputs, weight)
    # gather rows at edge endpoints, absolute difference
    src = jnp.take(h, edge[0], axis=0)
    dst = jnp.take(h, edge[1], axis=0)
    edge_weight = jnp.abs(src - dst)
    # project to scalar per edge and relu
    edge_weight = jnp.matmul(edge_weight, a)
    edge_weight = jax.nn.relu(edge_weight)
    edge_weight = jnp.squeeze(edge_weight)
    return (h, edge_weight)

if __name__ == "__main__":
    import jax
    _d = setup_inputs()
    print(jax.jit(kernel)(*tuple(_d.values())))

</pallas_src>

<mosaic_0001>
#map = affine_map<(d0, d1) -> (0, 0)>
#map1 = affine_map<(d0, d1) -> (0)>
module attributes {stable_mosaic.version = 14 : i64} {
  func.func @edge_kernel(%arg0: i32, %arg1: i32, %arg2: memref<10000x128xf32, #tpu.memory_space<hbm>>, %arg3: memref<327680xi32, #tpu.memory_space<hbm>>, %arg4: memref<327680xi32, #tpu.memory_space<hbm>>, %arg5: memref<128x16xf32, #tpu.memory_space<hbm>>, %arg6: memref<327680xf32, #tpu.memory_space<hbm>>, %arg7: memref<2x64xi32, #tpu.memory_space<vmem>>, %arg8: memref<2x64xi32, #tpu.memory_space<vmem>>, %arg9: memref<64x128xf32, #tpu.memory_space<vmem>>, %arg10: memref<64x128xf32, #tpu.memory_space<vmem>>, %arg11: memref<64x128xf32, #tpu.memory_space<vmem>>, %arg12: memref<64x128xf32, #tpu.memory_space<vmem>>, %arg13: memref<2x64xf32, #tpu.memory_space<vmem>>, %arg14: memref<128x16xf32, #tpu.memory_space<vmem>>, %arg15: memref<10000x128xf32, #tpu.memory_space<vmem_shared>>, %arg16: memref<!tpu.dma_semaphore, #tpu.memory_space<semaphore_mem>>, %arg17: memref<!tpu.dma_semaphore, #tpu.memory_space<semaphore_mem>>, %arg18: memref<!tpu.dma_semaphore, #tpu.memory_space<semaphore_mem>>, %arg19: memref<!tpu.dma_semaphore, #tpu.memory_space<semaphore_mem>>, %arg20: memref<!tpu.dma_semaphore, #tpu.memory_space<semaphore_mem>>, %arg21: memref<!tpu.dma_semaphore, #tpu.memory_space<semaphore_mem>>, %arg22: memref<!tpu.dma_semaphore, #tpu.memory_space<semaphore_mem>>, %arg23: memref<!tpu.dma_semaphore, #tpu.memory_space<semaphore_mem>>) attributes {dimension_semantics = [#tpu.dimension_semantics<core_parallel>, #tpu.dimension_semantics<subcore_parallel>], iteration_bounds = array<i64: 2, 16>, scalar_prefetch = 0 : i64, scratch_operands = 17 : i64, tpu.core_type = #tpu.core_type<sc_vector_subcore>, window_params = [{transform_indices = #map}, {transform_indices = #map1}, {transform_indices = #map1}, {transform_indices = #map}, {transform_indices = #map1}]} {
    %mul3A = arith.constant 2 : i32
    %mul3A_0 = arith.muli %arg1, %mul3A : i32
    %add3A = arith.addi %mul3A_0, %arg0 : i32
    %mul3A_1 = arith.constant 10240 : i32
    %mul3A_2 = arith.muli %add3A, %mul3A_1 : i32
    %lt3A = arith.constant 10 : i32
    %lt3A_3 = arith.cmpi slt, %arg1, %lt3A : i32
    %convert_element_type3A = arith.extui %lt3A_3 : i1 to i32
    %cond3A = arith.constant 0 : i32
    %cond3A_4 = arith.cmpi ne, %convert_element_type3A, %cond3A : i32
    scf.if %cond3A_4 {
      %mul3A_119 = arith.constant 1000 : i32
      %mul3A_120 = arith.muli %arg1, %mul3A_119 : i32
      "tpu.region"() ({
        %run_scoped3A = tpu.sem_alloc : memref<!tpu.dma_semaphore, #tpu.memory_space<semaphore_mem>>
        %dma_start3A_121 = arith.constant 0 : i32
        %dma_start3A_122 = tpu.memref_slice %arg15[%mul3A_120, %dma_start3A_121] : memref<10000x128xf32, #tpu.memory_space<vmem_shared>> -> memref<1000x128xf32, #tpu.memory_space<vmem_shared>>
        %dma_start3A_123 = arith.constant 0 : i32
        %dma_start3A_124 = tpu.memref_slice %arg2[%mul3A_120, %dma_start3A_123] : memref<10000x128xf32, #tpu.memory_space<hbm>> -> memref<1000x128xf32, #tpu.memory_space<hbm>>
        tpu.enqueue_dma source(%dma_start3A_124 : memref<1000x128xf32, #tpu.memory_space<hbm>>) target(%dma_start3A_122 : memref<1000x128xf32, #tpu.memory_space<vmem_shared>>) target_semaphore(%run_scoped3A : memref<!tpu.dma_semaphore, #tpu.memory_space<semaphore_mem>>)
        %dma_wait3A_125 = arith.constant 0 : i32
        %dma_wait3A_126 = tpu.memref_slice %arg15[%mul3A_120, %dma_wait3A_125] : memref<10000x128xf32, #tpu.memory_space<vmem_shared>> -> memref<1000x128xf32, #tpu.memory_space<vmem_shared>>
        %dma_wait3A_127 = arith.constant 0 : i32
        %dma_wait3A_128 = tpu.memref_slice %arg2[%mul3A_120, %dma_wait3A_127] : memref<10000x128xf32, #tpu.memory_space<hbm>> -> memref<1000x128xf32, #tpu.memory_space<hbm>>
        tpu.wait_dma2 semaphore(%run_scoped3A : memref<!tpu.dma_semaphore, #tpu.memory_space<semaphore_mem>>) src(%dma_wait3A_128 : memref<1000x128xf32, #tpu.memory_space<hbm>>) dst(%dma_wait3A_126 : memref<1000x128xf32, #tpu.memory_space<vmem_shared>>)
        tpu.yield
      }) : () -> ()
    } else {
    }
    "tpu.region"() ({
      %run_scoped3A = tpu.sem_alloc : memref<!tpu.dma_semaphore, #tpu.memory_space<semaphore_mem>>
      tpu.enqueue_dma source(%arg5 : memref<128x16xf32, #tpu.memory_space<hbm>>) target(%arg14 : memref<128x16xf32, #tpu.memory_space<vmem>>) target_semaphore(%run_scoped3A : memref<!tpu.dma_semaphore, #tpu.memory_space<semaphore_mem>>)
      tpu.wait_dma2 semaphore(%run_scoped3A : memref<!tpu.dma_semaphore, #tpu.memory_space<semaphore_mem>>) src(%arg5 : memref<128x16xf32, #tpu.memory_space<hbm>>) dst(%arg14 : memref<128x16xf32, #tpu.memory_space<vmem>>)
      tpu.yield
    }) : () -> ()
    %barrier3A = arith.constant 0 : index
    tpu.barrier barrier_id(%barrier3A)
    %iota3A = tpu.iota {dimensions = array<i32: 0>} : vector<16xi32>
    %add3A_5 = arith.constant 0 : i32
    %add3A_6 = vector.broadcast %add3A_5 : i32 to vector<16xi32>
    %add3A_7 = arith.addi %iota3A, %add3A_6 : vector<16xi32>
    %iota3A_8 = tpu.iota {dimensions = array<i32: 0>} : vector<16xi32>
    %add3A_9 = arith.constant 16 : i32
    %add3A_10 = vector.broadcast %add3A_9 : i32 to vector<16xi32>
    %add3A_11 = arith.addi %iota3A_8, %add3A_10 : vector<16xi32>
    %iota3A_12 = tpu.iota {dimensions = array<i32: 0>} : vector<16xi32>
    %add3A_13 = arith.constant 32 : i32
    %add3A_14 = vector.broadcast %add3A_13 : i32 to vector<16xi32>
    %add3A_15 = arith.addi %iota3A_12, %add3A_14 : vector<16xi32>
    %iota3A_16 = tpu.iota {dimensions = array<i32: 0>} : vector<16xi32>
    %add3A_17 = arith.constant 48 : i32
    %add3A_18 = vector.broadcast %add3A_17 : i32 to vector<16xi32>
    %add3A_19 = arith.addi %iota3A_16, %add3A_18 : vector<16xi32>
    %iota3A_20 = tpu.iota {dimensions = array<i32: 0>} : vector<16xi32>
    %add3A_21 = arith.constant 0 : i32
    %add3A_22 = arith.addi %mul3A_2, %add3A_21 : i32
    %add3A_23 = arith.constant 64 : i32
    %add3A_24 = arith.addi %mul3A_2, %add3A_23 : i32
    %dma_start3A = arith.constant 0 : i32
    %dma_start3A_25 = arith.constant 0 : i32
    %dma_start3A_26 = tpu.memref_slice %arg7[%dma_start3A, %dma_start3A_25] : memref<2x64xi32, #tpu.memory_space<vmem>> -> memref<1x64xi32, #tpu.memory_space<vmem>>
    %dma_start3A_27 = tpu.memref_squeeze %dma_start3A_26 : memref<1x64xi32, #tpu.memory_space<vmem>> -> memref<64xi32, #tpu.memory_space<vmem>>
    %dma_start3A_28 = tpu.memref_slice %arg3[%add3A_22] : memref<327680xi32, #tpu.memory_space<hbm>> -> memref<64xi32, #tpu.memory_space<hbm>>
    %dma_start3A_29 = arith.constant 0 : i32
    %dma_start3A_30 = tpu.memref_slice %arg7[%dma_start3A, %dma_start3A_29] : memref<2x64xi32, #tpu.memory_space<vmem>> -> memref<1x64xi32, #tpu.memory_space<vmem>>
    %dma_start3A_31 = tpu.memref_squeeze %dma_start3A_30 : memref<1x64xi32, #tpu.memory_space<vmem>> -> memref<64xi32, #tpu.memory_space<vmem>>
    %dma_start3A_32 = tpu.memref_slice %arg3[%add3A_22] : memref<327680xi32, #tpu.memory_space<hbm>> -> memref<64xi32, #tpu.memory_space<hbm>>
    tpu.enqueue_dma source(%dma_start3A_32 : memref<64xi32, #tpu.memory_space<hbm>>) target(%dma_start3A_31 : memref<64xi32, #tpu.memory_space<vmem>>) target_semaphore(%arg20 : memref<!tpu.dma_semaphore, #tpu.memory_space<semaphore_mem>>)
    %dma_start3A_33 = arith.constant 0 : i32
    %dma_start3A_34 = arith.constant 0 : i32
    %dma_start3A_35 = tpu.memref_slice %arg8[%dma_start3A_33, %dma_start3A_34] : memref<2x64xi32, #tpu.memory_space<vmem>> -> memref<1x64xi32, #tpu.memory_space<vmem>>
    %dma_start3A_36 = tpu.memref_squeeze %dma_start3A_35 : memref<1x64xi32, #tpu.memory_space<vmem>> -> memref<64xi32, #tpu.memory_space<vmem>>
    %dma_start3A_37 = tpu.memref_slice %arg4[%add3A_22] : memref<327680xi32, #tpu.memory_space<hbm>> -> memref<64xi32, #tpu.memory_space<hbm>>
    %dma_start3A_38 = arith.constant 0 : i32
    %dma_start3A_39 = tpu.memref_slice %arg8[%dma_start3A_33, %dma_start3A_38] : memref<2x64xi32, #tpu.memory_space<vmem>> -> memref<1x64xi32, #tpu.memory_space<vmem>>
    %dma_start3A_40 = tpu.memref_squeeze %dma_start3A_39 : memref<1x64xi32, #tpu.memory_space<vmem>> -> memref<64xi32, #tpu.memory_space<vmem>>
    %dma_start3A_41 = tpu.memref_slice %arg4[%add3A_22] : memref<327680xi32, #tpu.memory_space<hbm>> -> memref<64xi32, #tpu.memory_space<hbm>>
    tpu.enqueue_dma source(%dma_start3A_41 : memref<64xi32, #tpu.memory_space<hbm>>) target(%dma_start3A_40 : memref<64xi32, #tpu.memory_space<vmem>>) target_semaphore(%arg20 : memref<!tpu.dma_semaphore, #tpu.memory_space<semaphore_mem>>)
    %dma_start3A_42 = arith.constant 1 : i32
    %dma_start3A_43 = arith.constant 0 : i32
    %dma_start3A_44 = tpu.memref_slice %arg7[%dma_start3A_42, %dma_start3A_43] : memref<2x64xi32, #tpu.memory_space<vmem>> -> memref<1x64xi32, #tpu.memory_space<vmem>>
    %dma_start3A_45 = tpu.memref_squeeze %dma_start3A_44 : memref<1x64xi32, #tpu.memory_space<vmem>> -> memref<64xi32, #tpu.memory_space<vmem>>
    %dma_start3A_46 = tpu.memref_slice %arg3[%add3A_24] : memref<327680xi32, #tpu.memory_space<hbm>> -> memref<64xi32, #tpu.memory_space<hbm>>
    %dma_start3A_47 = arith.constant 0 : i32
    %dma_start3A_48 = tpu.memref_slice %arg7[%dma_start3A_42, %dma_start3A_47] : memref<2x64xi32, #tpu.memory_space<vmem>> -> memref<1x64xi32, #tpu.memory_space<vmem>>
    %dma_start3A_49 = tpu.memref_squeeze %dma_start3A_48 : memref<1x64xi32, #tpu.memory_space<vmem>> -> memref<64xi32, #tpu.memory_space<vmem>>
    %dma_start3A_50 = tpu.memref_slice %arg3[%add3A_24] : memref<327680xi32, #tpu.memory_space<hbm>> -> memref<64xi32, #tpu.memory_space<hbm>>
    tpu.enqueue_dma source(%dma_start3A_50 : memref<64xi32, #tpu.memory_space<hbm>>) target(%dma_start3A_49 : memref<64xi32, #tpu.memory_space<vmem>>) target_semaphore(%arg21 : memref<!tpu.dma_semaphore, #tpu.memory_space<semaphore_mem>>)
    %dma_start3A_51 = arith.constant 1 : i32
    %dma_start3A_52 = arith.constant 0 : i32
    %dma_start3A_53 = tpu.memref_slice %arg8[%dma_start3A_51, %dma_start3A_52] : memref<2x64xi32, #tpu.memory_space<vmem>> -> memref<1x64xi32, #tpu.memory_space<vmem>>
    %dma_start3A_54 = tpu.memref_squeeze %dma_start3A_53 : memref<1x64xi32, #tpu.memory_space<vmem>> -> memref<64xi32, #tpu.memory_space<vmem>>
    %dma_start3A_55 = tpu.memref_slice %arg4[%add3A_24] : memref<327680xi32, #tpu.memory_space<hbm>> -> memref<64xi32, #tpu.memory_space<hbm>>
    %dma_start3A_56 = arith.constant 0 : i32
    %dma_start3A_57 = tpu.memref_slice %arg8[%dma_start3A_51, %dma_start3A_56] : memref<2x64xi32, #tpu.memory_space<vmem>> -> memref<1x64xi32, #tpu.memory_space<vmem>>
    %dma_start3A_58 = tpu.memref_squeeze %dma_start3A_57 : memref<1x64xi32, #tpu.memory_space<vmem>> -> memref<64xi32, #tpu.memory_space<vmem>>
    %dma_start3A_59 = tpu.memref_slice %arg4[%add3A_24] : memref<327680xi32, #tpu.memory_space<hbm>> -> memref<64xi32, #tpu.memory_space<hbm>>
    tpu.enqueue_dma source(%dma_start3A_59 : memref<64xi32, #tpu.memory_space<hbm>>) target(%dma_start3A_58 : memref<64xi32, #tpu.memory_space<vmem>>) target_semaphore(%arg21 : memref<!tpu.dma_semaphore, #tpu.memory_space<semaphore_mem>>)
    %add3A_60 = arith.constant 0 : i32
    %add3A_61 = arith.addi %mul3A_2, %add3A_60 : i32
    %dma_wait3A = arith.constant 0 : i32
    %dma_wait3A_62 = arith.constant 0 : i32
    %dma_wait3A_63 = tpu.memref_slice %arg7[%dma_wait3A, %dma_wait3A_62] : memref<2x64xi32, #tpu.memory_space<vmem>> -> memref<1x64xi32, #tpu.memory_space<vmem>>
    %dma_wait3A_64 = tpu.memref_squeeze %dma_wait3A_63 : memref<1x64xi32, #tpu.memory_space<vmem>> -> memref<64xi32, #tpu.memory_space<vmem>>
    %dma_wait3A_65 = tpu.memref_slice %arg3[%add3A_61] : memref<327680xi32, #tpu.memory_space<hbm>> -> memref<64xi32, #tpu.memory_space<hbm>>
    %dma_wait3A_66 = arith.constant 0 : i32
    %dma_wait3A_67 = tpu.memref_slice %arg7[%dma_wait3A, %dma_wait3A_66] : memref<2x64xi32, #tpu.memory_space<vmem>> -> memref<1x64xi32, #tpu.memory_space<vmem>>
    %dma_wait3A_68 = tpu.memref_squeeze %dma_wait3A_67 : memref<1x64xi32, #tpu.memory_space<vmem>> -> memref<64xi32, #tpu.memory_space<vmem>>
    %dma_wait3A_69 = tpu.memref_slice %arg3[%add3A_61] : memref<327680xi32, #tpu.memory_space<hbm>> -> memref<64xi32, #tpu.memory_space<hbm>>
    tpu.wait_dma2 semaphore(%arg20 : memref<!tpu.dma_semaphore, #tpu.memory_space<semaphore_mem>>) src(%dma_wait3A_69 : memref<64xi32, #tpu.memory_space<hbm>>) dst(%dma_wait3A_68 : memref<64xi32, #tpu.memory_space<vmem>>)
    %dma_wait3A_70 = arith.constant 0 : i32
    %dma_wait3A_71 = arith.constant 0 : i32
    %dma_wait3A_72 = tpu.memref_slice %arg8[%dma_wait3A_70, %dma_wait3A_71] : memref<2x64xi32, #tpu.memory_space<vmem>> -> memref<1x64xi32, #tpu.memory_space<vmem>>
    %dma_wait3A_73 = tpu.memref_squeeze %dma_wait3A_72 : memref<1x64xi32, #tpu.memory_space<vmem>> -> memref<64xi32, #tpu.memory_space<vmem>>
    %dma_wait3A_74 = tpu.memref_slice %arg4[%add3A_61] : memref<327680xi32, #tpu.memory_space<hbm>> -> memref<64xi32, #tpu.memory_space<hbm>>
    %dma_wait3A_75 = arith.constant 0 : i32
    %dma_wait3A_76 = tpu.memref_slice %arg8[%dma_wait3A_70, %dma_wait3A_75] : memref<2x64xi32, #tpu.memory_space<vmem>> -> memref<1x64xi32, #tpu.memory_space<vmem>>
    %dma_wait3A_77 = tpu.memref_squeeze %dma_wait3A_76 : memref<1x64xi32, #tpu.memory_space<vmem>> -> memref<64xi32, #tpu.memory_space<vmem>>
    %dma_wait3A_78 = tpu.memref_slice %arg4[%add3A_61] : memref<327680xi32, #tpu.memory_space<hbm>> -> memref<64xi32, #tpu.memory_space<hbm>>
    tpu.wait_dma2 semaphore(%arg20 : memref<!tpu.dma_semaphore, #tpu.memory_space<semaphore_mem>>) src(%dma_wait3A_78 : memref<64xi32, #tpu.memory_space<hbm>>) dst(%dma_wait3A_77 : memref<64xi32, #tpu.memory_space<vmem>>)
    %dma_start3A_79 = arith.constant 0 : i32
    %dma_start3A_80 = arith.constant 0 : i32
    %dma_start3A_81 = tpu.memref_slice %arg7[%dma_start3A_79, %dma_start3A_80] : memref<2x64xi32, #tpu.memory_space<vmem>> -> memref<1x64xi32, #tpu.memory_space<vmem>>
    %dma_start3A_82 = tpu.memref_squeeze %dma_start3A_81 : memref<1x64xi32, #tpu.memory_space<vmem>> -> memref<64xi32, #tpu.memory_space<vmem>>
    %dma_start3A_83 = arith.constant 0 : i32
    %dma_start3A_84 = arith.constant 0 : i32
    %dma_start3A_85 = tpu.memref_slice %arg15[%dma_start3A_83, %dma_start3A_84] : memref<10000x128xf32, #tpu.memory_space<vmem_shared>> -> memref<10000x128xf32, #tpu.memory_space<vmem_shared>>
    tpu.enqueue_indirect_dma source(%dma_start3A_85 : memref<10000x128xf32, #tpu.memory_space<vmem_shared>>) target(%arg9 : memref<64x128xf32, #tpu.memory_space<vmem>>) offsets(%dma_start3A_82 : memref<64xi32, #tpu.memory_space<vmem>>) semaphore(%arg16 : memref<!tpu.dma_semaphore, #tpu.memory_space<semaphore_mem>>)
    %dma_start3A_86 = arith.constant 0 : i32
    %dma_start3A_87 = arith.constant 0 : i32
    %dma_start3A_88 = tpu.memref_slice %arg8[%dma_start3A_86, %dma_start3A_87] : memref<2x64xi32, #tpu.memory_space<vmem>> -> memref<1x64xi32, #tpu.memory_space<vmem>>
    %dma_start3A_89 = tpu.memref_squeeze %dma_start3A_88 : memref<1x64xi32, #tpu.memory_space<vmem>> -> memref<64xi32, #tpu.memory_space<vmem>>
    %dma_start3A_90 = arith.constant 0 : i32
    %dma_start3A_91 = arith.constant 0 : i32
    %dma_start3A_92 = tpu.memref_slice %arg15[%dma_start3A_90, %dma_start3A_91] : memref<10000x128xf32, #tpu.memory_space<vmem_shared>> -> memref<10000x128xf32, #tpu.memory_space<vmem_shared>>
    tpu.enqueue_indirect_dma source(%dma_start3A_92 : memref<10000x128xf32, #tpu.memory_space<vmem_shared>>) target(%arg10 : memref<64x128xf32, #tpu.memory_space<vmem>>) offsets(%dma_start3A_89 : memref<64xi32, #tpu.memory_space<vmem>>) semaphore(%arg17 : memref<!tpu.dma_semaphore, #tpu.memory_space<semaphore_mem>>)
    %scan3A = arith.constant 0 : i32
    %scan3A_93 = arith.constant 80 : i32
    %scan3A_94 = arith.addi %scan3A, %scan3A_93 : i32
    %scan3A_95 = arith.constant 1 : i32
    scf.for %scan3A_119 = %scan3A to %scan3A_94 step %scan3A_95  : i32 {
      %mul3A_120 = arith.constant 2 : i32
      %mul3A_121 = arith.muli %scan3A_119, %mul3A_120 : i32
      %add3A_122 = arith.constant 0 : i32
      %add3A_123 = arith.addi %add3A_122, %mul3A_121 : i32
      %add3A_124 = arith.constant 0 : i32
      %add3A_125 = arith.addi %add3A_123, %add3A_124 : i32
      %add3A_126 = arith.constant 1 : i32
      %add3A_127 = arith.addi %add3A_125, %add3A_126 : i32
      %lt3A_128 = arith.constant 160 : i32
      %lt3A_129 = arith.cmpi slt, %add3A_127, %lt3A_128 : i32
      %convert_element_type3A_130 = arith.extui %lt3A_129 : i1 to i32
      %cond3A_131 = arith.constant 0 : i32
      %cond3A_132 = arith.cmpi ne, %convert_element_type3A_130, %cond3A_131 : i32
      scf.if %cond3A_132 {
        %add3A_298 = arith.constant 1 : i32
        %add3A_299 = arith.addi %add3A_125, %add3A_298 : i32
        %mul3A_300 = arith.constant 64 : i32
        %mul3A_301 = arith.muli %add3A_299, %mul3A_300 : i32
        %add3A_302 = arith.addi %mul3A_2, %mul3A_301 : i32
        %dma_wait3A_303 = arith.constant 1 : i32
        %dma_wait3A_304 = arith.constant 0 : i32
        %dma_wait3A_305 = tpu.memref_slice %arg7[%dma_wait3A_303, %dma_wait3A_304] : memref<2x64xi32, #tpu.memory_space<vmem>> -> memref<1x64xi32, #tpu.memory_space<vmem>>
        %dma_wait3A_306 = tpu.memref_squeeze %dma_wait3A_305 : memref<1x64xi32, #tpu.memory_space<vmem>> -> memref<64xi32, #tpu.memory_space<vmem>>
        %dma_wait3A_307 = tpu.memref_slice %arg3[%add3A_302] : memref<327680xi32, #tpu.memory_space<hbm>> -> memref<64xi32, #tpu.memory_space<hbm>>
        %dma_wait3A_308 = arith.constant 0 : i32
        %dma_wait3A_309 = tpu.memref_slice %arg7[%dma_wait3A_303, %dma_wait3A_308] : memref<2x64xi32, #tpu.memory_space<vmem>> -> memref<1x64xi32, #tpu.memory_space<vmem>>
        %dma_wait3A_310 = tpu.memref_squeeze %dma_wait3A_309 : memref<1x64xi32, #tpu.memory_space<vmem>> -> memref<64xi32, #tpu.memory_space<vmem>>
        %dma_wait3A_311 = tpu.memref_slice %arg3[%add3A_302] : memref<327680xi32, #tpu.memory_space<hbm>> -> memref<64xi32, #tpu.memory_space<hbm>>
        tpu.wait_dma2 semaphore(%arg21 : memref<!tpu.dma_semaphore, #tpu.memory_space<semaphore_mem>>) src(%dma_wait3A_311 : memref<64xi32, #tpu.memory_space<hbm>>) dst(%dma_wait3A_310 : memref<64xi32, #tpu.memory_space<vmem>>)
        %dma_wait3A_312 = arith.constant 1 : i32
        %dma_wait3A_313 = arith.constant 0 : i32
        %dma_wait3A_314 = tpu.memref_slice %arg8[%dma_wait3A_312, %dma_wait3A_313] : memref<2x64xi32, #tpu.memory_space<vmem>> -> memref<1x64xi32, #tpu.memory_space<vmem>>
        %dma_wait3A_315 = tpu.memref_squeeze %dma_wait3A_314 : memref<1x64xi32, #tpu.memory_space<vmem>> -> memref<64xi32, #tpu.memory_space<vmem>>
        %dma_wait3A_316 = tpu.memref_slice %arg4[%add3A_302] : memref<327680xi32, #tpu.memory_space<hbm>> -> memref<64xi32, #tpu.memory_space<hbm>>
        %dma_wait3A_317 = arith.constant 0 : i32
        %dma_wait3A_318 = tpu.memref_slice %arg8[%dma_wait3A_312, %dma_wait3A_317] : memref<2x64xi32, #tpu.memory_space<vmem>> -> memref<1x64xi32, #tpu.memory_space<vmem>>
        %dma_wait3A_319 = tpu.memref_squeeze %dma_wait3A_318 : memref<1x64xi32, #tpu.memory_space<vmem>> -> memref<64xi32, #tpu.memory_space<vmem>>
        %dma_wait3A_320 = tpu.memref_slice %arg4[%add3A_302] : memref<327680xi32, #tpu.memory_space<hbm>> -> memref<64xi32, #tpu.memory_space<hbm>>
        tpu.wait_dma2 semaphore(%arg21 : memref<!tpu.dma_semaphore, #tpu.memory_space<semaphore_mem>>) src(%dma_wait3A_320 : memref<64xi32, #tpu.memory_space<hbm>>) dst(%dma_wait3A_319 : memref<64xi32, #tpu.memory_space<vmem>>)
        %dma_start3A_321 = arith.constant 1 : i32
        %dma_start3A_322 = arith.constant 0 : i32
        %dma_start3A_323 = tpu.memref_slice %arg7[%dma_start3A_321, %dma_start3A_322] : memref<2x64xi32, #tpu.memory_space<vmem>> -> memref<1x64xi32, #tpu.memory_space<vmem>>
        %dma_start3A_324 = tpu.memref_squeeze %dma_start3A_323 : memref<1x64xi32, #tpu.memory_space<vmem>> -> memref<64xi32, #tpu.memory_space<vmem>>
        %dma_start3A_325 = arith.constant 0 : i32
        %dma_start3A_326 = arith.constant 0 : i32
        %dma_start3A_327 = tpu.memref_slice %arg15[%dma_start3A_325, %dma_start3A_326] : memref<10000x128xf32, #tpu.memory_space<vmem_shared>> -> memref<10000x128xf32, #tpu.memory_space<vmem_shared>>
        tpu.enqueue_indirect_dma source(%dma_start3A_327 : memref<10000x128xf32, #tpu.memory_space<vmem_shared>>) target(%arg11 : memref<64x128xf32, #tpu.memory_space<vmem>>) offsets(%dma_start3A_324 : memref<64xi32, #tpu.memory_space<vmem>>) semaphore(%arg18 : memref<!tpu.dma_semaphore, #tpu.memory_space<semaphore_mem>>)
        %dma_start3A_328 = arith.constant 1 : i32
        %dma_start3A_329 = arith.constant 0 : i32
        %dma_start3A_330 = tpu.memref_slice %arg8[%dma_start3A_328, %dma_start3A_329] : memref<2x64xi32, #tpu.memory_space<vmem>> -> memref<1x64xi32, #tpu.memory_space<vmem>>
        %dma_start3A_331 = tpu.memref_squeeze %dma_start3A_330 : memref<1x64xi32, #tpu.memory_space<vmem>> -> memref<64xi32, #tpu.memory_space<vmem>>
        %dma_start3A_332 = arith.constant 0 : i32
        %dma_start3A_333 = arith.constant 0 : i32
        %dma_start3A_334 = tpu.memref_slice %arg15[%dma_start3A_332, %dma_start3A_333] : memref<10000x128xf32, #tpu.memory_space<vmem_shared>> -> memref<10000x128xf32, #tpu.memory_space<vmem_shared>>
        tpu.enqueue_indirect_dma source(%dma_start3A_334 : memref<10000x128xf32, #tpu.memory_space<vmem_shared>>) target(%arg12 : memref<64x128xf32, #tpu.memory_space<vmem>>) offsets(%dma_start3A_331 : memref<64xi32, #tpu.memory_space<vmem>>) semaphore(%arg19 : memref<!tpu.dma_semaphore, #tpu.memory_space<semaphore_mem>>)
      } else {
      }
      %dma_wait3A_133 = arith.constant 0 : i32
      %dma_wait3A_134 = arith.constant 0 : i32
      %dma_wait3A_135 = tpu.memref_slice %arg7[%dma_wait3A_133, %dma_wait3A_134] : memref<2x64xi32, #tpu.memory_space<vmem>> -> memref<1x64xi32, #tpu.memory_space<vmem>>
      %dma_wait3A_136 = tpu.memref_squeeze %dma_wait3A_135 : memref<1x64xi32, #tpu.memory_space<vmem>> -> memref<64xi32, #tpu.memory_space<vmem>>
      %dma_wait3A_137 = arith.constant 0 : i32
      %dma_wait3A_138 = arith.constant 0 : i32
      %dma_wait3A_139 = tpu.memref_slice %arg15[%dma_wait3A_137, %dma_wait3A_138] : memref<10000x128xf32, #tpu.memory_space<vmem_shared>> -> memref<10000x128xf32, #tpu.memory_space<vmem_shared>>
      tpu.wait_indirect_dma semaphore(%arg16 : memref<!tpu.dma_semaphore, #tpu.memory_space<semaphore_mem>>) src(%dma_wait3A_139 : memref<10000x128xf32, #tpu.memory_space<vmem_shared>>) dst(%arg9 : memref<64x128xf32, #tpu.memory_space<vmem>>)
      %dma_wait3A_140 = arith.constant 0 : i32
      %dma_wait3A_141 = arith.constant 0 : i32
      %dma_wait3A_142 = tpu.memref_slice %arg8[%dma_wait3A_140, %dma_wait3A_141] : memref<2x64xi32, #tpu.memory_space<vmem>> -> memref<1x64xi32, #tpu.memory_space<vmem>>
      %dma_wait3A_143 = tpu.memref_squeeze %dma_wait3A_142 : memref<1x64xi32, #tpu.memory_space<vmem>> -> memref<64xi32, #tpu.memory_space<vmem>>
      %dma_wait3A_144 = arith.constant 0 : i32
      %dma_wait3A_145 = arith.constant 0 : i32
      %dma_wait3A_146 = tpu.memref_slice %arg15[%dma_wait3A_144, %dma_wait3A_145] : memref<10000x128xf32, #tpu.memory_space<vmem_shared>> -> memref<10000x128xf32, #tpu.memory_space<vmem_shared>>
      tpu.wait_indirect_dma semaphore(%arg17 : memref<!tpu.dma_semaphore, #tpu.memory_space<semaphore_mem>>) src(%dma_wait3A_146 : memref<10000x128xf32, #tpu.memory_space<vmem_shared>>) dst(%arg10 : memref<64x128xf32, #tpu.memory_space<vmem>>)
      %ge3A = arith.constant 2 : i32
      %ge3A_147 = arith.cmpi sge, %add3A_125, %ge3A : i32
      %convert_element_type3A_148 = arith.extui %ge3A_147 : i1 to i32
      %cond3A_149 = arith.constant 0 : i32
      %cond3A_150 = arith.cmpi ne, %convert_element_type3A_148, %cond3A_149 : i32
      scf.if %cond3A_150 {
        %sub3A = arith.constant 2 : i32
        %sub3A_298 = arith.subi %add3A_125, %sub3A : i32
        %mul3A_299 = arith.constant 64 : i32
        %mul3A_300 = arith.muli %sub3A_298, %mul3A_299 : i32
        %add3A_301 = arith.addi %mul3A_2, %mul3A_300 : i32
        %dma_wait3A_302 = arith.constant 0 : i32
        %dma_wait3A_303 = arith.constant 0 : i32
        %dma_wait3A_304 = tpu.memref_slice %arg13[%dma_wait3A_302, %dma_wait3A_303] : memref<2x64xf32, #tpu.memory_space<vmem>> -> memref<1x64xf32, #tpu.memory_space<vmem>>
        %dma_wait3A_305 = tpu.memref_squeeze %dma_wait3A_304 : memref<1x64xf32, #tpu.memory_space<vmem>> -> memref<64xf32, #tpu.memory_space<vmem>>
        %dma_wait3A_306 = tpu.memref_slice %arg6[%add3A_301] : memref<327680xf32, #tpu.memory_space<hbm>> -> memref<64xf32, #tpu.memory_space<hbm>>
        %dma_wait3A_307 = tpu.memref_slice %arg6[%add3A_301] : memref<327680xf32, #tpu.memory_space<hbm>> -> memref<64xf32, #tpu.memory_space<hbm>>
        %dma_wait3A_308 = arith.constant 0 : i32
        %dma_wait3A_309 = tpu.memref_slice %arg13[%dma_wait3A_302, %dma_wait3A_308] : memref<2x64xf32, #tpu.memory_space<vmem>> -> memref<1x64xf32, #tpu.memory_space<vmem>>
        %dma_wait3A_310 = tpu.memref_squeeze %dma_wait3A_309 : memref<1x64xf32, #tpu.memory_space<vmem>> -> memref<64xf32, #tpu.memory_space<vmem>>
        tpu.wait_dma2 semaphore(%arg22 : memref<!tpu.dma_semaphore, #tpu.memory_space<semaphore_mem>>) src(%dma_wait3A_310 : memref<64xf32, #tpu.memory_space<vmem>>) dst(%dma_wait3A_307 : memref<64xf32, #tpu.memory_space<hbm>>)
      } else {
      }
      %broadcast_in_dim3A = arith.constant 0.000000e+00 : f32
      %broadcast_in_dim3A_151 = vector.broadcast %broadcast_in_dim3A : f32 to vector<16xf32>
      %broadcast_in_dim3A_152 = arith.constant 0.000000e+00 : f32
      %broadcast_in_dim3A_153 = vector.broadcast %broadcast_in_dim3A_152 : f32 to vector<16xf32>
      %broadcast_in_dim3A_154 = arith.constant 0.000000e+00 : f32
      %broadcast_in_dim3A_155 = vector.broadcast %broadcast_in_dim3A_154 : f32 to vector<16xf32>
      %broadcast_in_dim3A_156 = arith.constant 0.000000e+00 : f32
      %broadcast_in_dim3A_157 = vector.broadcast %broadcast_in_dim3A_156 : f32 to vector<16xf32>
      %scan3A_158 = arith.constant 0 : i32
      %scan3A_159 = arith.constant 128 : i32
      %scan3A_160 = arith.addi %scan3A_158, %scan3A_159 : i32
      %scan3A_161 = arith.constant 4 : i32
      %scan3A_162:4 = scf.for %scan3A_298 = %scan3A_158 to %scan3A_160 step %scan3A_161 iter_args(%scan3A_299 = %broadcast_in_dim3A_151, %scan3A_300 = %broadcast_in_dim3A_153, %scan3A_301 = %broadcast_in_dim3A_155, %scan3A_302 = %broadcast_in_dim3A_157) -> (vector<16xf32>, vector<16xf32>, vector<16xf32>, vector<16xf32>)  : i32 {
        %add3A_303 = vector.broadcast %scan3A_298 : i32 to vector<16xi32>
        %add3A_304 = arith.addi %iota3A_20, %add3A_303 : vector<16xi32>
        %and3A = arith.constant 127 : i32
        %and3A_305 = vector.broadcast %and3A : i32 to vector<16xi32>
        %and3A_306 = arith.andi %add3A_304, %and3A_305 : vector<16xi32>
        %get3A = arith.index_cast %scan3A_298 : i32 to index
        %get3A_307 = arith.constant 0 : index
        %get3A_308 = tpu.vector_load %arg14[%get3A, %get3A_307] {strides = array<i32>} : memref<128x16xf32, #tpu.memory_space<vmem>>, vector<16xf32>,
        %gather3A = tpu.vector_load_idx %arg9[%add3A_7, %and3A_306] : memref<64x128xf32, #tpu.memory_space<vmem>>[vector<16xi32>, vector<16xi32>], vector<16xf32>,
        %gather3A_309 = tpu.vector_load_idx %arg10[%add3A_7, %and3A_306] : memref<64x128xf32, #tpu.memory_space<vmem>>[vector<16xi32>, vector<16xi32>], vector<16xf32>,
        %sub3A = arith.subf %gather3A, %gather3A_309 : vector<16xf32>
        %abs3A = math.absf %sub3A : vector<16xf32>
        %bitcast3A = vector.bitcast %abs3A : vector<16xf32> to vector<16xi32>
        %add3A_310 = arith.constant 32768 : i32
        %add3A_311 = vector.broadcast %add3A_310 : i32 to vector<16xi32>
        %add3A_312 = arith.addi %bitcast3A, %add3A_311 : vector<16xi32>
        %and3A_313 = arith.constant -65536 : i32
        %and3A_314 = vector.broadcast %and3A_313 : i32 to vector<16xi32>
        %and3A_315 = arith.andi %add3A_312, %and3A_314 : vector<16xi32>
        %bitcast3A_316 = vector.bitcast %and3A_315 : vector<16xi32> to vector<16xf32>
        %mul3A_317 = arith.mulf %bitcast3A_316, %get3A_308 : vector<16xf32>
        %add3A_318 = arith.addf %scan3A_299, %mul3A_317 : vector<16xf32>
        %gather3A_319 = tpu.vector_load_idx %arg9[%add3A_11, %and3A_306] : memref<64x128xf32, #tpu.memory_space<vmem>>[vector<16xi32>, vector<16xi32>], vector<16xf32>,
        %gather3A_320 = tpu.vector_load_idx %arg10[%add3A_11, %and3A_306] : memref<64x128xf32, #tpu.memory_space<vmem>>[vector<16xi32>, vector<16xi32>], vector<16xf32>,
        %sub3A_321 = arith.subf %gather3A_319, %gather3A_320 : vector<16xf32>
        %abs3A_322 = math.absf %sub3A_321 : vector<16xf32>
        %bitcast3A_323 = vector.bitcast %abs3A_322 : vector<16xf32> to vector<16xi32>
        %add3A_324 = arith.constant 32768 : i32
        %add3A_325 = vector.broadcast %add3A_324 : i32 to vector<16xi32>
        %add3A_326 = arith.addi %bitcast3A_323, %add3A_325 : vector<16xi32>
        %and3A_327 = arith.constant -65536 : i32
        %and3A_328 = vector.broadcast %and3A_327 : i32 to vector<16xi32>
        %and3A_329 = arith.andi %add3A_326, %and3A_328 : vector<16xi32>
        %bitcast3A_330 = vector.bitcast %and3A_329 : vector<16xi32> to vector<16xf32>
        %mul3A_331 = arith.mulf %bitcast3A_330, %get3A_308 : vector<16xf32>
        %add3A_332 = arith.addf %scan3A_300, %mul3A_331 : vector<16xf32>
        %gather3A_333 = tpu.vector_load_idx %arg9[%add3A_15, %and3A_306] : memref<64x128xf32, #tpu.memory_space<vmem>>[vector<16xi32>, vector<16xi32>], vector<16xf32>,
        %gather3A_334 = tpu.vector_load_idx %arg10[%add3A_15, %and3A_306] : memref<64x128xf32, #tpu.memory_space<vmem>>[vector<16xi32>, vector<16xi32>], vector<16xf32>,
        %sub3A_335 = arith.subf %gather3A_333, %gather3A_334 : vector<16xf32>
        %abs3A_336 = math.absf %sub3A_335 : vector<16xf32>
        %bitcast3A_337 = vector.bitcast %abs3A_336 : vector<16xf32> to vector<16xi32>
        %add3A_338 = arith.constant 32768 : i32
        %add3A_339 = vector.broadcast %add3A_338 : i32 to vector<16xi32>
        %add3A_340 = arith.addi %bitcast3A_337, %add3A_339 : vector<16xi32>
        %and3A_341 = arith.constant -65536 : i32
        %and3A_342 = vector.broadcast %and3A_341 : i32 to vector<16xi32>
        %and3A_343 = arith.andi %add3A_340, %and3A_342 : vector<16xi32>
        %bitcast3A_344 = vector.bitcast %and3A_343 : vector<16xi32> to vector<16xf32>
        %mul3A_345 = arith.mulf %bitcast3A_344, %get3A_308 : vector<16xf32>
        %add3A_346 = arith.addf %scan3A_301, %mul3A_345 : vector<16xf32>
        %gather3A_347 = tpu.vector_load_idx %arg9[%add3A_19, %and3A_306] : memref<64x128xf32, #tpu.memory_space<vmem>>[vector<16xi32>, vector<16xi32>], vector<16xf32>,
        %gather3A_348 = tpu.vector_load_idx %arg10[%add3A_19, %and3A_306] : memref<64x128xf32, #tpu.memory_space<vmem>>[vector<16xi32>, vector<16xi32>], vector<16xf32>,
        %sub3A_349 = arith.subf %gather3A_347, %gather3A_348 : vector<16xf32>
        %abs3A_350 = math.absf %sub3A_349 : vector<16xf32>
        %bitcast3A_351 = vector.bitcast %abs3A_350 : vector<16xf32> to vector<16xi32>
        %add3A_352 = arith.constant 32768 : i32
        %add3A_353 = vector.broadcast %add3A_352 : i32 to vector<16xi32>
        %add3A_354 = arith.addi %bitcast3A_351, %add3A_353 : vector<16xi32>
        %and3A_355 = arith.constant -65536 : i32
        %and3A_356 = vector.broadcast %and3A_355 : i32 to vector<16xi32>
        %and3A_357 = arith.andi %add3A_354, %and3A_356 : vector<16xi32>
        %bitcast3A_358 = vector.bitcast %and3A_357 : vector<16xi32> to vector<16xf32>
        %mul3A_359 = arith.mulf %bitcast3A_358, %get3A_308 : vector<16xf32>
        %add3A_360 = arith.addf %scan3A_302, %mul3A_359 : vector<16xf32>
        %scan3A_361 = arith.constant 1 : i32
        %scan3A_362 = arith.addi %scan3A_298, %scan3A_361 : i32
        %add3A_363 = vector.broadcast %scan3A_362 : i32 to vector<16xi32>
        %add3A_364 = arith.addi %iota3A_20, %add3A_363 : vector<16xi32>
        %and3A_365 = arith.constant 127 : i32
        %and3A_366 = vector.broadcast %and3A_365 : i32 to vector<16xi32>
        %and3A_367 = arith.andi %add3A_364, %and3A_366 : vector<16xi32>
        %get3A_368 = arith.index_cast %scan3A_362 : i32 to index
        %get3A_369 = arith.constant 0 : index
        %get3A_370 = tpu.vector_load %arg14[%get3A_368, %get3A_369] {strides = array<i32>} : memref<128x16xf32, #tpu.memory_space<vmem>>, vector<16xf32>,
        %gather3A_371 = tpu.vector_load_idx %arg9[%add3A_7, %and3A_367] : memref<64x128xf32, #tpu.memory_space<vmem>>[vector<16xi32>, vector<16xi32>], vector<16xf32>,
        %gather3A_372 = tpu.vector_load_idx %arg10[%add3A_7, %and3A_367] : memref<64x128xf32, #tpu.memory_space<vmem>>[vector<16xi32>, vector<16xi32>], vector<16xf32>,
        %sub3A_373 = arith.subf %gather3A_371, %gather3A_372 : vector<16xf32>
        %abs3A_374 = math.absf %sub3A_373 : vector<16xf32>
        %bitcast3A_375 = vector.bitcast %abs3A_374 : vector<16xf32> to vector<16xi32>
        %add3A_376 = arith.constant 32768 : i32
        %add3A_377 = vector.broadcast %add3A_376 : i32 to vector<16xi32>
        %add3A_378 = arith.addi %bitcast3A_375, %add3A_377 : vector<16xi32>
        %and3A_379 = arith.constant -65536 : i32
        %and3A_380 = vector.broadcast %and3A_379 : i32 to vector<16xi32>
        %and3A_381 = arith.andi %add3A_378, %and3A_380 : vector<16xi32>
        %bitcast3A_382 = vector.bitcast %and3A_381 : vector<16xi32> to vector<16xf32>
        %mul3A_383 = arith.mulf %bitcast3A_382, %get3A_370 : vector<16xf32>
        %add3A_384 = arith.addf %add3A_318, %mul3A_383 : vector<16xf32>
        %gather3A_385 = tpu.vector_load_idx %arg9[%add3A_11, %and3A_367] : memref<64x128xf32, #tpu.memory_space<vmem>>[vector<16xi32>, vector<16xi32>], vector<16xf32>,
        %gather3A_386 = tpu.vector_load_idx %arg10[%add3A_11, %and3A_367] : memref<64x128xf32, #tpu.memory_space<vmem>>[vector<16xi32>, vector<16xi32>], vector<16xf32>,
        %sub3A_387 = arith.subf %gather3A_385, %gather3A_386 : vector<16xf32>
        %abs3A_388 = math.absf %sub3A_387 : vector<16xf32>
        %bitcast3A_389 = vector.bitcast %abs3A_388 : vector<16xf32> to vector<16xi32>
        %add3A_390 = arith.constant 32768 : i32
        %add3A_391 = vector.broadcast %add3A_390 : i32 to vector<16xi32>
        %add3A_392 = arith.addi %bitcast3A_389, %add3A_391 : vector<16xi32>
        %and3A_393 = arith.constant -65536 : i32
        %and3A_394 = vector.broadcast %and3A_393 : i32 to vector<16xi32>
        %and3A_395 = arith.andi %add3A_392, %and3A_394 : vector<16xi32>
        %bitcast3A_396 = vector.bitcast %and3A_395 : vector<16xi32> to vector<16xf32>
        %mul3A_397 = arith.mulf %bitcast3A_396, %get3A_370 : vector<16xf32>
        %add3A_398 = arith.addf %add3A_332, %mul3A_397 : vector<16xf32>
        %gather3A_399 = tpu.vector_load_idx %arg9[%add3A_15, %and3A_367] : memref<64x128xf32, #tpu.memory_space<vmem>>[vector<16xi32>, vector<16xi32>], vector<16xf32>,
        %gather3A_400 = tpu.vector_load_idx %arg10[%add3A_15, %and3A_367] : memref<64x128xf32, #tpu.memory_space<vmem>>[vector<16xi32>, vector<16xi32>], vector<16xf32>,
        %sub3A_401 = arith.subf %gather3A_399, %gather3A_400 : vector<16xf32>
        %abs3A_402 = math.absf %sub3A_401 : vector<16xf32>
        %bitcast3A_403 = vector.bitcast %abs3A_402 : vector<16xf32> to vector<16xi32>
        %add3A_404 = arith.constant 32768 : i32
        %add3A_405 = vector.broadcast %add3A_404 : i32 to vector<16xi32>
        %add3A_406 = arith.addi %bitcast3A_403, %add3A_405 : vector<16xi32>
        %and3A_407 = arith.constant -65536 : i32
        %and3A_408 = vector.broadcast %and3A_407 : i32 to vector<16xi32>
        %and3A_409 = arith.andi %add3A_406, %and3A_408 : vector<16xi32>
        %bitcast3A_410 = vector.bitcast %and3A_409 : vector<16xi32> to vector<16xf32>
        %mul3A_411 = arith.mulf %bitcast3A_410, %get3A_370 : vector<16xf32>
        %add3A_412 = arith.addf %add3A_346, %mul3A_411 : vector<16xf32>
        %gather3A_413 = tpu.vector_load_idx %arg9[%add3A_19, %and3A_367] : memref<64x128xf32, #tpu.memory_space<vmem>>[vector<16xi32>, vector<16xi32>], vector<16xf32>,
        %gather3A_414 = tpu.vector_load_idx %arg10[%add3A_19, %and3A_367] : memref<64x128xf32, #tpu.memory_space<vmem>>[vector<16xi32>, vector<16xi32>], vector<16xf32>,
        %sub3A_415 = arith.subf %gather3A_413, %gather3A_414 : vector<16xf32>
        %abs3A_416 = math.absf %sub3A_415 : vector<16xf32>
        %bitcast3A_417 = vector.bitcast %abs3A_416 : vector<16xf32> to vector<16xi32>
        %add3A_418 = arith.constant 32768 : i32
        %add3A_419 = vector.broadcast %add3A_418 : i32 to vector<16xi32>
        %add3A_420 = arith.addi %bitcast3A_417, %add3A_419 : vector<16xi32>
        %and3A_421 = arith.constant -65536 : i32
        %and3A_422 = vector.broadcast %and3A_421 : i32 to vector<16xi32>
        %and3A_423 = arith.andi %add3A_420, %and3A_422 : vector<16xi32>
        %bitcast3A_424 = vector.bitcast %and3A_423 : vector<16xi32> to vector<16xf32>
        %mul3A_425 = arith.mulf %bitcast3A_424, %get3A_370 : vector<16xf32>
        %add3A_426 = arith.addf %add3A_360, %mul3A_425 : vector<16xf32>
        %scan3A_427 = arith.constant 2 : i32
        %scan3A_428 = arith.addi %scan3A_298, %scan3A_427 : i32
        %add3A_429 = vector.broadcast %scan3A_428 : i32 to vector<16xi32>
        %add3A_430 = arith.addi %iota3A_20, %add3A_429 : vector<16xi32>
        %and3A_431 = arith.constant 127 : i32
        %and3A_432 = vector.broadcast %and3A_431 : i32 to vector<16xi32>
        %and3A_433 = arith.andi %add3A_430, %and3A_432 : vector<16xi32>
        %get3A_434 = arith.index_cast %scan3A_428 : i32 to index
        %get3A_435 = arith.constant 0 : index
        %get3A_436 = tpu.vector_load %arg14[%get3A_434, %get3A_435] {strides = array<i32>} : memref<128x16xf32, #tpu.memory_space<vmem>>, vector<16xf32>,
        %gather3A_437 = tpu.vector_load_idx %arg9[%add3A_7, %and3A_433] : memref<64x128xf32, #tpu.memory_space<vmem>>[vector<16xi32>, vector<16xi32>], vector<16xf32>,
        %gather3A_438 = tpu.vector_load_idx %arg10[%add3A_7, %and3A_433] : memref<64x128xf32, #tpu.memory_space<vmem>>[vector<16xi32>, vector<16xi32>], vector<16xf32>,
        %sub3A_439 = arith.subf %gather3A_437, %gather3A_438 : vector<16xf32>
        %abs3A_440 = math.absf %sub3A_439 : vector<16xf32>
        %bitcast3A_441 = vector.bitcast %abs3A_440 : vector<16xf32> to vector<16xi32>
        %add3A_442 = arith.constant 32768 : i32
        %add3A_443 = vector.broadcast %add3A_442 : i32 to vector<16xi32>
        %add3A_444 = arith.addi %bitcast3A_441, %add3A_443 : vector<16xi32>
        %and3A_445 = arith.constant -65536 : i32
        %and3A_446 = vector.broadcast %and3A_445 : i32 to vector<16xi32>
        %and3A_447 = arith.andi %add3A_444, %and3A_446 : vector<16xi32>
        %bitcast3A_448 = vector.bitcast %and3A_447 : vector<16xi32> to vector<16xf32>
        %mul3A_449 = arith.mulf %bitcast3A_448, %get3A_436 : vector<16xf32>
        %add3A_450 = arith.addf %add3A_384, %mul3A_449 : vector<16xf32>
        %gather3A_451 = tpu.vector_load_idx %arg9[%add3A_11, %and3A_433] : memref<64x128xf32, #tpu.memory_space<vmem>>[vector<16xi32>, vector<16xi32>], vector<16xf32>,
        %gather3A_452 = tpu.vector_load_idx %arg10[%add3A_11, %and3A_433] : memref<64x128xf32, #tpu.memory_space<vmem>>[vector<16xi32>, vector<16xi32>], vector<16xf32>,
        %sub3A_453 = arith.subf %gather3A_451, %gather3A_452 : vector<16xf32>
        %abs3A_454 = math.absf %sub3A_453 : vector<16xf32>
        %bitcast3A_455 = vector.bitcast %abs3A_454 : vector<16xf32> to vector<16xi32>
        %add3A_456 = arith.constant 32768 : i32
        %add3A_457 = vector.broadcast %add3A_456 : i32 to vector<16xi32>
        %add3A_458 = arith.addi %bitcast3A_455, %add3A_457 : vector<16xi32>
        %and3A_459 = arith.constant -65536 : i32
        %and3A_460 = vector.broadcast %and3A_459 : i32 to vector<16xi32>
        %and3A_461 = arith.andi %add3A_458, %and3A_460 : vector<16xi32>
        %bitcast3A_462 = vector.bitcast %and3A_461 : vector<16xi32> to vector<16xf32>
        %mul3A_463 = arith.mulf %bitcast3A_462, %get3A_436 : vector<16xf32>
        %add3A_464 = arith.addf %add3A_398, %mul3A_463 : vector<16xf32>
        %gather3A_465 = tpu.vector_load_idx %arg9[%add3A_15, %and3A_433] : memref<64x128xf32, #tpu.memory_space<vmem>>[vector<16xi32>, vector<16xi32>], vector<16xf32>,
        %gather3A_466 = tpu.vector_load_idx %arg10[%add3A_15, %and3A_433] : memref<64x128xf32, #tpu.memory_space<vmem>>[vector<16xi32>, vector<16xi32>], vector<16xf32>,
        %sub3A_467 = arith.subf %gather3A_465, %gather3A_466 : vector<16xf32>
        %abs3A_468 = math.absf %sub3A_467 : vector<16xf32>
        %bitcast3A_469 = vector.bitcast %abs3A_468 : vector<16xf32> to vector<16xi32>
        %add3A_470 = arith.constant 32768 : i32
        %add3A_471 = vector.broadcast %add3A_470 : i32 to vector<16xi32>
        %add3A_472 = arith.addi %bitcast3A_469, %add3A_471 : vector<16xi32>
        %and3A_473 = arith.constant -65536 : i32
        %and3A_474 = vector.broadcast %and3A_473 : i32 to vector<16xi32>
        %and3A_475 = arith.andi %add3A_472, %and3A_474 : vector<16xi32>
        %bitcast3A_476 = vector.bitcast %and3A_475 : vector<16xi32> to vector<16xf32>
        %mul3A_477 = arith.mulf %bitcast3A_476, %get3A_436 : vector<16xf32>
        %add3A_478 = arith.addf %add3A_412, %mul3A_477 : vector<16xf32>
        %gather3A_479 = tpu.vector_load_idx %arg9[%add3A_19, %and3A_433] : memref<64x128xf32, #tpu.memory_space<vmem>>[vector<16xi32>, vector<16xi32>], vector<16xf32>,
        %gather3A_480 = tpu.vector_load_idx %arg10[%add3A_19, %and3A_433] : memref<64x128xf32, #tpu.memory_space<vmem>>[vector<16xi32>, vector<16xi32>], vector<16xf32>,
        %sub3A_481 = arith.subf %gather3A_479, %gather3A_480 : vector<16xf32>
        %abs3A_482 = math.absf %sub3A_481 : vector<16xf32>
        %bitcast3A_483 = vector.bitcast %abs3A_482 : vector<16xf32> to vector<16xi32>
        %add3A_484 = arith.constant 32768 : i32
        %add3A_485 = vector.broadcast %add3A_484 : i32 to vector<16xi32>
        %add3A_486 = arith.addi %bitcast3A_483, %add3A_485 : vector<16xi32>
        %and3A_487 = arith.constant -65536 : i32
        %and3A_488 = vector.broadcast %and3A_487 : i32 to vector<16xi32>
        %and3A_489 = arith.andi %add3A_486, %and3A_488 : vector<16xi32>
        %bitcast3A_490 = vector.bitcast %and3A_489 : vector<16xi32> to vector<16xf32>
        %mul3A_491 = arith.mulf %bitcast3A_490, %get3A_436 : vector<16xf32>
        %add3A_492 = arith.addf %add3A_426, %mul3A_491 : vector<16xf32>
        %scan3A_493 = arith.constant 3 : i32
        %scan3A_494 = arith.addi %scan3A_298, %scan3A_493 : i32
        %add3A_495 = vector.broadcast %scan3A_494 : i32 to vector<16xi32>
        %add3A_496 = arith.addi %iota3A_20, %add3A_495 : vector<16xi32>
        %and3A_497 = arith.constant 127 : i32
        %and3A_498 = vector.broadcast %and3A_497 : i32 to vector<16xi32>
        %and3A_499 = arith.andi %add3A_496, %and3A_498 : vector<16xi32>
        %get3A_500 = arith.index_cast %scan3A_494 : i32 to index
        %get3A_501 = arith.constant 0 : index
        %get3A_502 = tpu.vector_load %arg14[%get3A_500, %get3A_501] {strides = array<i32>} : memref<128x16xf32, #tpu.memory_space<vmem>>, vector<16xf32>,
        %gather3A_503 = tpu.vector_load_idx %arg9[%add3A_7, %and3A_499] : memref<64x128xf32, #tpu.memory_space<vmem>>[vector<16xi32>, vector<16xi32>], vector<16xf32>,
        %gather3A_504 = tpu.vector_load_idx %arg10[%add3A_7, %and3A_499] : memref<64x128xf32, #tpu.memory_space<vmem>>[vector<16xi32>, vector<16xi32>], vector<16xf32>,
        %sub3A_505 = arith.subf %gather3A_503, %gather3A_504 : vector<16xf32>
        %abs3A_506 = math.absf %sub3A_505 : vector<16xf32>
        %bitcast3A_507 = vector.bitcast %abs3A_506 : vector<16xf32> to vector<16xi32>
        %add3A_508 = arith.constant 32768 : i32
        %add3A_509 = vector.broadcast %add3A_508 : i32 to vector<16xi32>
        %add3A_510 = arith.addi %bitcast3A_507, %add3A_509 : vector<16xi32>
        %and3A_511 = arith.constant -65536 : i32
        %and3A_512 = vector.broadcast %and3A_511 : i32 to vector<16xi32>
        %and3A_513 = arith.andi %add3A_510, %and3A_512 : vector<16xi32>
        %bitcast3A_514 = vector.bitcast %and3A_513 : vector<16xi32> to vector<16xf32>
        %mul3A_515 = arith.mulf %bitcast3A_514, %get3A_502 : vector<16xf32>
        %add3A_516 = arith.addf %add3A_450, %mul3A_515 : vector<16xf32>
        %gather3A_517 = tpu.vector_load_idx %arg9[%add3A_11, %and3A_499] : memref<64x128xf32, #tpu.memory_space<vmem>>[vector<16xi32>, vector<16xi32>], vector<16xf32>,
        %gather3A_518 = tpu.vector_load_idx %arg10[%add3A_11, %and3A_499] : memref<64x128xf32, #tpu.memory_space<vmem>>[vector<16xi32>, vector<16xi32>], vector<16xf32>,
        %sub3A_519 = arith.subf %gather3A_517, %gather3A_518 : vector<16xf32>
        %abs3A_520 = math.absf %sub3A_519 : vector<16xf32>
        %bitcast3A_521 = vector.bitcast %abs3A_520 : vector<16xf32> to vector<16xi32>
        %add3A_522 = arith.constant 32768 : i32
        %add3A_523 = vector.broadcast %add3A_522 : i32 to vector<16xi32>
        %add3A_524 = arith.addi %bitcast3A_521, %add3A_523 : vector<16xi32>
        %and3A_525 = arith.constant -65536 : i32
        %and3A_526 = vector.broadcast %and3A_525 : i32 to vector<16xi32>
        %and3A_527 = arith.andi %add3A_524, %and3A_526 : vector<16xi32>
        %bitcast3A_528 = vector.bitcast %and3A_527 : vector<16xi32> to vector<16xf32>
        %mul3A_529 = arith.mulf %bitcast3A_528, %get3A_502 : vector<16xf32>
        %add3A_530 = arith.addf %add3A_464, %mul3A_529 : vector<16xf32>
        %gather3A_531 = tpu.vector_load_idx %arg9[%add3A_15, %and3A_499] : memref<64x128xf32, #tpu.memory_space<vmem>>[vector<16xi32>, vector<16xi32>], vector<16xf32>,
        %gather3A_532 = tpu.vector_load_idx %arg10[%add3A_15, %and3A_499] : memref<64x128xf32, #tpu.memory_space<vmem>>[vector<16xi32>, vector<16xi32>], vector<16xf32>,
        %sub3A_533 = arith.subf %gather3A_531, %gather3A_532 : vector<16xf32>
        %abs3A_534 = math.absf %sub3A_533 : vector<16xf32>
        %bitcast3A_535 = vector.bitcast %abs3A_534 : vector<16xf32> to vector<16xi32>
        %add3A_536 = arith.constant 32768 : i32
        %add3A_537 = vector.broadcast %add3A_536 : i32 to vector<16xi32>
        %add3A_538 = arith.addi %bitcast3A_535, %add3A_537 : vector<16xi32>
        %and3A_539 = arith.constant -65536 : i32
        %and3A_540 = vector.broadcast %and3A_539 : i32 to vector<16xi32>
        %and3A_541 = arith.andi %add3A_538, %and3A_540 : vector<16xi32>
        %bitcast3A_542 = vector.bitcast %and3A_541 : vector<16xi32> to vector<16xf32>
        %mul3A_543 = arith.mulf %bitcast3A_542, %get3A_502 : vector<16xf32>
        %add3A_544 = arith.addf %add3A_478, %mul3A_543 : vector<16xf32>
        %gather3A_545 = tpu.vector_load_idx %arg9[%add3A_19, %and3A_499] : memref<64x128xf32, #tpu.memory_space<vmem>>[vector<16xi32>, vector<16xi32>], vector<16xf32>,
        %gather3A_546 = tpu.vector_load_idx %arg10[%add3A_19, %and3A_499] : memref<64x128xf32, #tpu.memory_space<vmem>>[vector<16xi32>, vector<16xi32>], vector<16xf32>,
        %sub3A_547 = arith.subf %gather3A_545, %gather3A_546 : vector<16xf32>
        %abs3A_548 = math.absf %sub3A_547 : vector<16xf32>
        %bitcast3A_549 = vector.bitcast %abs3A_548 : vector<16xf32> to vector<16xi32>
        %add3A_550 = arith.constant 32768 : i32
        %add3A_551 = vector.broadcast %add3A_550 : i32 to vector<16xi32>
        %add3A_552 = arith.addi %bitcast3A_549, %add3A_551 : vector<16xi32>
        %and3A_553 = arith.constant -65536 : i32
        %and3A_554 = vector.broadcast %and3A_553 : i32 to vector<16xi32>
        %and3A_555 = arith.andi %add3A_552, %and3A_554 : vector<16xi32>
        %bitcast3A_556 = vector.bitcast %and3A_555 : vector<16xi32> to vector<16xf32>
        %mul3A_557 = arith.mulf %bitcast3A_556, %get3A_502 : vector<16xf32>
        %add3A_558 = arith.addf %add3A_492, %mul3A_557 : vector<16xf32>
        scf.yield %add3A_516, %add3A_530, %add3A_544, %add3A_558 : vector<16xf32>, vector<16xf32>, vector<16xf32>, vector<16xf32>
      }
      %scan3A_163 = arith.constant 128 : i32
      %max3A = arith.constant 0.000000e+00 : f32
      %max3A_164 = vector.broadcast %max3A : f32 to vector<16xf32>
      %max3A_165 = arith.maximumf %scan3A_162#0, %max3A_164 : vector<16xf32>
      %swap3A = arith.constant 0 : i32
      %swap3A_166 = arith.index_cast %swap3A : i32 to index
      %swap3A_167 = arith.constant 0 : index
      %swap3A_168 = tpu.vector_load %arg13[%swap3A_166, %swap3A_167] {strides = array<i32>} : memref<2x64xf32, #tpu.memory_space<vmem>>, vector<16xf32>,
      tpu.vector_store %arg13[%swap3A_166, %swap3A_167], %max3A_165 {strides = array<i32>} : memref<2x64xf32, #tpu.memory_space<vmem>>, vector<16xf32>,
      %max3A_169 = arith.constant 0.000000e+00 : f32
      %max3A_170 = vector.broadcast %max3A_169 : f32 to vector<16xf32>
      %max3A_171 = arith.maximumf %scan3A_162#1, %max3A_170 : vector<16xf32>
      %swap3A_172 = arith.constant 0 : i32
      %swap3A_173 = arith.index_cast %swap3A_172 : i32 to index
      %swap3A_174 = arith.constant 16 : index
      %swap3A_175 = tpu.vector_load %arg13[%swap3A_173, %swap3A_174] {strides = array<i32>} : memref<2x64xf32, #tpu.memory_space<vmem>>, vector<16xf32>,
      tpu.vector_store %arg13[%swap3A_173, %swap3A_174], %max3A_171 {strides = array<i32>} : memref<2x64xf32, #tpu.memory_space<vmem>>, vector<16xf32>,
      %max3A_176 = arith.constant 0.000000e+00 : f32
      %max3A_177 = vector.broadcast %max3A_176 : f32 to vector<16xf32>
      %max3A_178 = arith.maximumf %scan3A_162#2, %max3A_177 : vector<16xf32>
      %swap3A_179 = arith.constant 0 : i32
      %swap3A_180 = arith.index_cast %swap3A_179 : i32 to index
      %swap3A_181 = arith.constant 32 : index
      %swap3A_182 = tpu.vector_load %arg13[%swap3A_180, %swap3A_181] {strides = array<i32>} : memref<2x64xf32, #tpu.memory_space<vmem>>, vector<16xf32>,
      tpu.vector_store %arg13[%swap3A_180, %swap3A_181], %max3A_178 {strides = array<i32>} : memref<2x64xf32, #tpu.memory_space<vmem>>, vector<16xf32>,
      %max3A_183 = arith.constant 0.000000e+00 : f32
      %max3A_184 = vector.broadcast %max3A_183 : f32 to vector<16xf32>
      %max3A_185 = arith.maximumf %scan3A_162#3, %max3A_184 : vector<16xf32>
      %swap3A_186 = arith.constant 0 : i32
      %swap3A_187 = arith.index_cast %swap3A_186 : i32 to index
      %swap3A_188 = arith.constant 48 : index
      %swap3A_189 = tpu.vector_load %arg13[%swap3A_187, %swap3A_188] {strides = array<i32>} : memref<2x64xf32, #tpu.memory_space<vmem>>, vector<16xf32>,
      tpu.vector_store %arg13[%swap3A_187, %swap3A_188], %max3A_185 {strides = array<i32>} : memref<2x64xf32, #tpu.memory_space<vmem>>, vector<16xf32>,
      %mul3A_190 = arith.constant 64 : i32
      %mul3A_191 = arith.muli %add3A_125, %mul3A_190 : i32
      %add3A_192 = arith.addi %mul3A_2, %mul3A_191 : i32
      %dma_start3A_193 = arith.constant 0 : i32
      %dma_start3A_194 = arith.constant 0 : i32
      %dma_start3A_195 = tpu.memref_slice %arg13[%dma_start3A_193, %dma_start3A_194] : memref<2x64xf32, #tpu.memory_space<vmem>> -> memref<1x64xf32, #tpu.memory_space<vmem>>
      %dma_start3A_196 = tpu.memref_squeeze %dma_start3A_195 : memref<1x64xf32, #tpu.memory_space<vmem>> -> memref<64xf32, #tpu.memory_space<vmem>>
      %dma_start3A_197 = tpu.memref_slice %arg6[%add3A_192] : memref<327680xf32, #tpu.memory_space<hbm>> -> memref<64xf32, #tpu.memory_space<hbm>>
      %dma_start3A_198 = tpu.memref_slice %arg6[%add3A_192] : memref<327680xf32, #tpu.memory_space<hbm>> -> memref<64xf32, #tpu.memory_space<hbm>>
      %dma_start3A_199 = arith.constant 0 : i32
      %dma_start3A_200 = tpu.memref_slice %arg13[%dma_start3A_193, %dma_start3A_199] : memref<2x64xf32, #tpu.memory_space<vmem>> -> memref<1x64xf32, #tpu.memory_space<vmem>>
      %dma_start3A_201 = tpu.memref_squeeze %dma_start3A_200 : memref<1x64xf32, #tpu.memory_space<vmem>> -> memref<64xf32, #tpu.memory_space<vmem>>
      tpu.enqueue_dma source(%dma_start3A_201 : memref<64xf32, #tpu.memory_space<vmem>>) target(%dma_start3A_198 : memref<64xf32, #tpu.memory_space<hbm>>) target_semaphore(%arg22 : memref<!tpu.dma_semaphore, #tpu.memory_space<semaphore_mem>>)
      %add3A_202 = arith.constant 2 : i32
      %add3A_203 = arith.addi %add3A_125, %add3A_202 : i32
      %lt3A_204 = arith.constant 160 : i32
      %lt3A_205 = arith.cmpi slt, %add3A_203, %lt3A_204 : i32
      %convert_element_type3A_206 = arith.extui %lt3A_205 : i1 to i32
      %cond3A_207 = arith.constant 0 : i32
      %cond3A_208 = arith.cmpi ne, %convert_element_type3A_206, %cond3A_207 : i32
      scf.if %cond3A_208 {
        %add3A_298 = arith.constant 2 : i32
        %add3A_299 = arith.addi %add3A_125, %add3A_298 : i32
        %mul3A_300 = arith.constant 64 : i32
        %mul3A_301 = arith.muli %add3A_299, %mul3A_300 : i32
        %add3A_302 = arith.addi %mul3A_2, %mul3A_301 : i32
        %dma_start3A_303 = arith.constant 0 : i32
        %dma_start3A_304 = arith.constant 0 : i32
        %dma_start3A_305 = tpu.memref_slice %arg7[%dma_start3A_303, %dma_start3A_304] : memref<2x64xi32, #tpu.memory_space<vmem>> -> memref<1x64xi32, #tpu.memory_space<vmem>>
        %dma_start3A_306 = tpu.memref_squeeze %dma_start3A_305 : memref<1x64xi32, #tpu.memory_space<vmem>> -> memref<64xi32, #tpu.memory_space<vmem>>
        %dma_start3A_307 = tpu.memref_slice %arg3[%add3A_302] : memref<327680xi32, #tpu.memory_space<hbm>> -> memref<64xi32, #tpu.memory_space<hbm>>
        %dma_start3A_308 = arith.constant 0 : i32
        %dma_start3A_309 = tpu.memref_slice %arg7[%dma_start3A_303, %dma_start3A_308] : memref<2x64xi32, #tpu.memory_space<vmem>> -> memref<1x64xi32, #tpu.memory_space<vmem>>
        %dma_start3A_310 = tpu.memref_squeeze %dma_start3A_309 : memref<1x64xi32, #tpu.memory_space<vmem>> -> memref<64xi32, #tpu.memory_space<vmem>>
        %dma_start3A_311 = tpu.memref_slice %arg3[%add3A_302] : memref<327680xi32, #tpu.memory_space<hbm>> -> memref<64xi32, #tpu.memory_space<hbm>>
        tpu.enqueue_dma source(%dma_start3A_311 : memref<64xi32, #tpu.memory_space<hbm>>) target(%dma_start3A_310 : memref<64xi32, #tpu.memory_space<vmem>>) target_semaphore(%arg20 : memref<!tpu.dma_semaphore, #tpu.memory_space<semaphore_mem>>)
        %dma_start3A_312 = arith.constant 0 : i32
        %dma_start3A_313 = arith.constant 0 : i32
        %dma_start3A_314 = tpu.memref_slice %arg8[%dma_start3A_312, %dma_start3A_313] : memref<2x64xi32, #tpu.memory_space<vmem>> -> memref<1x64xi32, #tpu.memory_space<vmem>>
        %dma_start3A_315 = tpu.memref_squeeze %dma_start3A_314 : memref<1x64xi32, #tpu.memory_space<vmem>> -> memref<64xi32, #tpu.memory_space<vmem>>
        %dma_start3A_316 = tpu.memref_slice %arg4[%add3A_302] : memref<327680xi32, #tpu.memory_space<hbm>> -> memref<64xi32, #tpu.memory_space<hbm>>
        %dma_start3A_317 = arith.constant 0 : i32
        %dma_start3A_318 = tpu.memref_slice %arg8[%dma_start3A_312, %dma_start3A_317] : memref<2x64xi32, #tpu.memory_space<vmem>> -> memref<1x64xi32, #tpu.memory_space<vmem>>
        %dma_start3A_319 = tpu.memref_squeeze %dma_start3A_318 : memref<1x64xi32, #tpu.memory_space<vmem>> -> memref<64xi32, #tpu.memory_space<vmem>>
        %dma_start3A_320 = tpu.memref_slice %arg4[%add3A_302] : memref<327680xi32, #tpu.memory_space<hbm>> -> memref<64xi32, #tpu.memory_space<hbm>>
        tpu.enqueue_dma source(%dma_start3A_320 : memref<64xi32, #tpu.memory_space<hbm>>) target(%dma_start3A_319 : memref<64xi32, #tpu.memory_space<vmem>>) target_semaphore(%arg20 : memref<!tpu.dma_semaphore, #tpu.memory_space<semaphore_mem>>)
      } else {
      }
      %add3A_209 = arith.constant 1 : i32
      %add3A_210 = arith.addi %add3A_123, %add3A_209 : i32
      %add3A_211 = arith.constant 1 : i32
      %add3A_212 = arith.addi %add3A_210, %add3A_211 : i32
      %lt3A_213 = arith.constant 160 : i32
      %lt3A_214 = arith.cmpi slt, %add3A_212, %lt3A_213 : i32
      %convert_element_type3A_215 = arith.extui %lt3A_214 : i1 to i32
      %cond3A_216 = arith.constant 0 : i32
      %cond3A_217 = arith.cmpi ne, %convert_element_type3A_215, %cond3A_216 : i32
      scf.if %cond3A_217 {
        %add3A_298 = arith.constant 1 : i32
        %add3A_299 = arith.addi %add3A_210, %add3A_298 : i32
        %mul3A_300 = arith.constant 64 : i32
        %mul3A_301 = arith.muli %add3A_299, %mul3A_300 : i32
        %add3A_302 = arith.addi %mul3A_2, %mul3A_301 : i32
        %dma_wait3A_303 = arith.constant 0 : i32
        %dma_wait3A_304 = arith.constant 0 : i32
        %dma_wait3A_305 = tpu.memref_slice %arg7[%dma_wait3A_303, %dma_wait3A_304] : memref<2x64xi32, #tpu.memory_space<vmem>> -> memref<1x64xi32, #tpu.memory_space<vmem>>
        %dma_wait3A_306 = tpu.memref_squeeze %dma_wait3A_305 : memref<1x64xi32, #tpu.memory_space<vmem>> -> memref<64xi32, #tpu.memory_space<vmem>>
        %dma_wait3A_307 = tpu.memref_slice %arg3[%add3A_302] : memref<327680xi32, #tpu.memory_space<hbm>> -> memref<64xi32, #tpu.memory_space<hbm>>
        %dma_wait3A_308 = arith.constant 0 : i32
        %dma_wait3A_309 = tpu.memref_slice %arg7[%dma_wait3A_303, %dma_wait3A_308] : memref<2x64xi32, #tpu.memory_space<vmem>> -> memref<1x64xi32, #tpu.memory_space<vmem>>
        %dma_wait3A_310 = tpu.memref_squeeze %dma_wait3A_309 : memref<1x64xi32, #tpu.memory_space<vmem>> -> memref<64xi32, #tpu.memory_space<vmem>>
        %dma_wait3A_311 = tpu.memref_slice %arg3[%add3A_302] : memref<327680xi32, #tpu.memory_space<hbm>> -> memref<64xi32, #tpu.memory_space<hbm>>
        tpu.wait_dma2 semaphore(%arg20 : memref<!tpu.dma_semaphore, #tpu.memory_space<semaphore_mem>>) src(%dma_wait3A_311 : memref<64xi32, #tpu.memory_space<hbm>>) dst(%dma_wait3A_310 : memref<64xi32, #tpu.memory_space<vmem>>)
        %dma_wait3A_312 = arith.constant 0 : i32
        %dma_wait3A_313 = arith.constant 0 : i32
        %dma_wait3A_314 = tpu.memref_slice %arg8[%dma_wait3A_312, %dma_wait3A_313] : memref<2x64xi32, #tpu.memory_space<vmem>> -> memref<1x64xi32, #tpu.memory_space<vmem>>
        %dma_wait3A_315 = tpu.memref_squeeze %dma_wait3A_314 : memref<1x64xi32, #tpu.memory_space<vmem>> -> memref<64xi32, #tpu.memory_space<vmem>>
        %dma_wait3A_316 = tpu.memref_slice %arg4[%add3A_302] : memref<327680xi32, #tpu.memory_space<hbm>> -> memref<64xi32, #tpu.memory_space<hbm>>
        %dma_wait3A_317 = arith.constant 0 : i32
        %dma_wait3A_318 = tpu.memref_slice %arg8[%dma_wait3A_312, %dma_wait3A_317] : memref<2x64xi32, #tpu.memory_space<vmem>> -> memref<1x64xi32, #tpu.memory_space<vmem>>
        %dma_wait3A_319 = tpu.memref_squeeze %dma_wait3A_318 : memref<1x64xi32, #tpu.memory_space<vmem>> -> memref<64xi32, #tpu.memory_space<vmem>>
        %dma_wait3A_320 = tpu.memref_slice %arg4[%add3A_302] : memref<327680xi32, #tpu.memory_space<hbm>> -> memref<64xi32, #tpu.memory_space<hbm>>
        tpu.wait_dma2 semaphore(%arg20 : memref<!tpu.dma_semaphore, #tpu.memory_space<semaphore_mem>>) src(%dma_wait3A_320 : memref<64xi32, #tpu.memory_space<hbm>>) dst(%dma_wait3A_319 : memref<64xi32, #tpu.memory_space<vmem>>)
        %dma_start3A_321 = arith.constant 0 : i32
        %dma_start3A_322 = arith.constant 0 : i32
        %dma_start3A_323 = tpu.memref_slice %arg7[%dma_start3A_321, %dma_start3A_322] : memref<2x64xi32, #tpu.memory_space<vmem>> -> memref<1x64xi32, #tpu.memory_space<vmem>>
        %dma_start3A_324 = tpu.memref_squeeze %dma_start3A_323 : memref<1x64xi32, #tpu.memory_space<vmem>> -> memref<64xi32, #tpu.memory_space<vmem>>
        %dma_start3A_325 = arith.constant 0 : i32
        %dma_start3A_326 = arith.constant 0 : i32
        %dma_start3A_327 = tpu.memref_slice %arg15[%dma_start3A_325, %dma_start3A_326] : memref<10000x128xf32, #tpu.memory_space<vmem_shared>> -> memref<10000x128xf32, #tpu.memory_space<vmem_shared>>
        tpu.enqueue_indirect_dma source(%dma_start3A_327 : memref<10000x128xf32, #tpu.memory_space<vmem_shared>>) target(%arg9 : memref<64x128xf32, #tpu.memory_space<vmem>>) offsets(%dma_start3A_324 : memref<64xi32, #tpu.memory_space<vmem>>) semaphore(%arg16 : memref<!tpu.dma_semaphore, #tpu.memory_space<semaphore_mem>>)
        %dma_start3A_328 = arith.constant 0 : i32
        %dma_start3A_329 = arith.constant 0 : i32
        %dma_start3A_330 = tpu.memref_slice %arg8[%dma_start3A_328, %dma_start3A_329] : memref<2x64xi32, #tpu.memory_space<vmem>> -> memref<1x64xi32, #tpu.memory_space<vmem>>
        %dma_start3A_331 = tpu.memref_squeeze %dma_start3A_330 : memref<1x64xi32, #tpu.memory_space<vmem>> -> memref<64xi32, #tpu.memory_space<vmem>>
        %dma_start3A_332 = arith.constant 0 : i32
        %dma_start3A_333 = arith.constant 0 : i32
        %dma_start3A_334 = tpu.memref_slice %arg15[%dma_start3A_332, %dma_start3A_333] : memref<10000x128xf32, #tpu.memory_space<vmem_shared>> -> memref<10000x128xf32, #tpu.memory_space<vmem_shared>>
        tpu.enqueue_indirect_dma source(%dma_start3A_334 : memref<10000x128xf32, #tpu.memory_space<vmem_shared>>) target(%arg10 : memref<64x128xf32, #tpu.memory_space<vmem>>) offsets(%dma_start3A_331 : memref<64xi32, #tpu.memory_space<vmem>>) semaphore(%arg17 : memref<!tpu.dma_semaphore, #tpu.memory_space<semaphore_mem>>)
      } else {
      }
      %dma_wait3A_218 = arith.constant 1 : i32
      %dma_wait3A_219 = arith.constant 0 : i32
      %dma_wait3A_220 = tpu.memref_slice %arg7[%dma_wait3A_218, %dma_wait3A_219] : memref<2x64xi32, #tpu.memory_space<vmem>> -> memref<1x64xi32, #tpu.memory_space<vmem>>
      %dma_wait3A_221 = tpu.memref_squeeze %dma_wait3A_220 : memref<1x64xi32, #tpu.memory_space<vmem>> -> memref<64xi32, #tpu.memory_space<vmem>>
      %dma_wait3A_222 = arith.constant 0 : i32
      %dma_wait3A_223 = arith.constant 0 : i32
      %dma_wait3A_224 = tpu.memref_slice %arg15[%dma_wait3A_222, %dma_wait3A_223] : memref<10000x128xf32, #tpu.memory_space<vmem_shared>> -> memref<10000x128xf32, #tpu.memory_space<vmem_shared>>
      tpu.wait_indirect_dma semaphore(%arg18 : memref<!tpu.dma_semaphore, #tpu.memory_space<semaphore_mem>>) src(%dma_wait3A_224 : memref<10000x128xf32, #tpu.memory_space<vmem_shared>>) dst(%arg11 : memref<64x128xf32, #tpu.memory_space<vmem>>)
      %dma_wait3A_225 = arith.constant 1 : i32
      %dma_wait3A_226 = arith.constant 0 : i32
      %dma_wait3A_227 = tpu.memref_slice %arg8[%dma_wait3A_225, %dma_wait3A_226] : memref<2x64xi32, #tpu.memory_space<vmem>> -> memref<1x64xi32, #tpu.memory_space<vmem>>
      %dma_wait3A_228 = tpu.memref_squeeze %dma_wait3A_227 : memref<1x64xi32, #tpu.memory_space<vmem>> -> memref<64xi32, #tpu.memory_space<vmem>>
      %dma_wait3A_229 = arith.constant 0 : i32
      %dma_wait3A_230 = arith.constant 0 : i32
      %dma_wait3A_231 = tpu.memref_slice %arg15[%dma_wait3A_229, %dma_wait3A_230] : memref<10000x128xf32, #tpu.memory_space<vmem_shared>> -> memref<10000x128xf32, #tpu.memory_space<vmem_shared>>
      tpu.wait_indirect_dma semaphore(%arg19 : memref<!tpu.dma_semaphore, #tpu.memory_space<semaphore_mem>>) src(%dma_wait3A_231 : memref<10000x128xf32, #tpu.memory_space<vmem_shared>>) dst(%arg12 : memref<64x128xf32, #tpu.memory_space<vmem>>)
      %ge3A_232 = arith.constant 2 : i32
      %ge3A_233 = arith.cmpi sge, %add3A_210, %ge3A_232 : i32
      %convert_element_type3A_234 = arith.extui %ge3A_233 : i1 to i32
      %cond3A_235 = arith.constant 0 : i32
      %cond3A_236 = arith.cmpi ne, %convert_element_type3A_234, %cond3A_235 : i32
      scf.if %cond3A_236 {
        %sub3A = arith.constant 2 : i32
        %sub3A_298 = arith.subi %add3A_210, %sub3A : i32
        %mul3A_299 = arith.constant 64 : i32
        %mul3A_300 = arith.muli %sub3A_298, %mul3A_299 : i32
        %add3A_301 = arith.addi %mul3A_2, %mul3A_300 : i32
        %dma_wait3A_302 = arith.constant 1 : i32
        %dma_wait3A_303 = arith.constant 0 : i32
        %dma_wait3A_304 = tpu.memref_slice %arg13[%dma_wait3A_302, %dma_wait3A_303] : memref<2x64xf32, #tpu.memory_space<vmem>> -> memref<1x64xf32, #tpu.memory_space<vmem>>
        %dma_wait3A_305 = tpu.memref_squeeze %dma_wait3A_304 : memref<1x64xf32, #tpu.memory_space<vmem>> -> memref<64xf32, #tpu.memory_space<vmem>>
        %dma_wait3A_306 = tpu.memref_slice %arg6[%add3A_301] : memref<327680xf32, #tpu.memory_space<hbm>> -> memref<64xf32, #tpu.memory_space<hbm>>
        %dma_wait3A_307 = tpu.memref_slice %arg6[%add3A_301] : memref<327680xf32, #tpu.memory_space<hbm>> -> memref<64xf32, #tpu.memory_space<hbm>>
        %dma_wait3A_308 = arith.constant 0 : i32
        %dma_wait3A_309 = tpu.memref_slice %arg13[%dma_wait3A_302, %dma_wait3A_308] : memref<2x64xf32, #tpu.memory_space<vmem>> -> memref<1x64xf32, #tpu.memory_space<vmem>>
        %dma_wait3A_310 = tpu.memref_squeeze %dma_wait3A_309 : memref<1x64xf32, #tpu.memory_space<vmem>> -> memref<64xf32, #tpu.memory_space<vmem>>
        tpu.wait_dma2 semaphore(%arg23 : memref<!tpu.dma_semaphore, #tpu.memory_space<semaphore_mem>>) src(%dma_wait3A_310 : memref<64xf32, #tpu.memory_space<vmem>>) dst(%dma_wait3A_307 : memref<64xf32, #tpu.memory_space<hbm>>)
      } else {
      }
      %broadcast_in_dim3A_237 = arith.constant 0.000000e+00 : f32
      %broadcast_in_dim3A_238 = vector.broadcast %broadcast_in_dim3A_237 : f32 to vector<16xf32>
      %broadcast_in_dim3A_239 = arith.constant 0.000000e+00 : f32
      %broadcast_in_dim3A_240 = vector.broadcast %broadcast_in_dim3A_239 : f32 to vector<16xf32>
      %broadcast_in_dim3A_241 = arith.constant 0.000000e+00 : f32
      %broadcast_in_dim3A_242 = vector.broadcast %broadcast_in_dim3A_241 : f32 to vector<16xf32>
      %broadcast_in_dim3A_243 = arith.constant 0.000000e+00 : f32
      %broadcast_in_dim3A_244 = vector.broadcast %broadcast_in_dim3A_243 : f32 to vector<16xf32>
      %scan3A_245 = arith.constant 0 : i32
      %scan3A_246 = arith.constant 128 : i32
      %scan3A_247 = arith.addi %scan3A_245, %scan3A_246 : i32
      %scan3A_248 = arith.constant 4 : i32
      %scan3A_249:4 = scf.for %scan3A_298 = %scan3A_245 to %scan3A_247 step %scan3A_248 iter_args(%scan3A_299 = %broadcast_in_dim3A_238, %scan3A_300 = %broadcast_in_dim3A_240, %scan3A_301 = %broadcast_in_dim3A_242, %scan3A_302 = %broadcast_in_dim3A_244) -> (vector<16xf32>, vector<16xf32>, vector<16xf32>, vector<16xf32>)  : i32 {
        %add3A_303 = vector.broadcast %scan3A_298 : i32 to vector<16xi32>
        %add3A_304 = arith.addi %iota3A_20, %add3A_303 : vector<16xi32>
        %and3A = arith.constant 127 : i32
        %and3A_305 = vector.broadcast %and3A : i32 to vector<16xi32>
        %and3A_306 = arith.andi %add3A_304, %and3A_305 : vector<16xi32>
        %get3A = arith.index_cast %scan3A_298 : i32 to index
        %get3A_307 = arith.constant 0 : index
        %get3A_308 = tpu.vector_load %arg14[%get3A, %get3A_307] {strides = array<i32>} : memref<128x16xf32, #tpu.memory_space<vmem>>, vector<16xf32>,
        %gather3A = tpu.vector_load_idx %arg11[%add3A_7, %and3A_306] : memref<64x128xf32, #tpu.memory_space<vmem>>[vector<16xi32>, vector<16xi32>], vector<16xf32>,
        %gather3A_309 = tpu.vector_load_idx %arg12[%add3A_7, %and3A_306] : memref<64x128xf32, #tpu.memory_space<vmem>>[vector<16xi32>, vector<16xi32>], vector<16xf32>,
        %sub3A = arith.subf %gather3A, %gather3A_309 : vector<16xf32>
        %abs3A = math.absf %sub3A : vector<16xf32>
        %bitcast3A = vector.bitcast %abs3A : vector<16xf32> to vector<16xi32>
        %add3A_310 = arith.constant 32768 : i32
        %add3A_311 = vector.broadcast %add3A_310 : i32 to vector<16xi32>
        %add3A_312 = arith.addi %bitcast3A, %add3A_311 : vector<16xi32>
        %and3A_313 = arith.constant -65536 : i32
        %and3A_314 = vector.broadcast %and3A_313 : i32 to vector<16xi32>
        %and3A_315 = arith.andi %add3A_312, %and3A_314 : vector<16xi32>
        %bitcast3A_316 = vector.bitcast %and3A_315 : vector<16xi32> to vector<16xf32>
        %mul3A_317 = arith.mulf %bitcast3A_316, %get3A_308 : vector<16xf32>
        %add3A_318 = arith.addf %scan3A_299, %mul3A_317 : vector<16xf32>
        %gather3A_319 = tpu.vector_load_idx %arg11[%add3A_11, %and3A_306] : memref<64x128xf32, #tpu.memory_space<vmem>>[vector<16xi32>, vector<16xi32>], vector<16xf32>,
        %gather3A_320 = tpu.vector_load_idx %arg12[%add3A_11, %and3A_306] : memref<64x128xf32, #tpu.memory_space<vmem>>[vector<16xi32>, vector<16xi32>], vector<16xf32>,
        %sub3A_321 = arith.subf %gather3A_319, %gather3A_320 : vector<16xf32>
        %abs3A_322 = math.absf %sub3A_321 : vector<16xf32>
        %bitcast3A_323 = vector.bitcast %abs3A_322 : vector<16xf32> to vector<16xi32>
        %add3A_324 = arith.constant 32768 : i32
        %add3A_325 = vector.broadcast %add3A_324 : i32 to vector<16xi32>
        %add3A_326 = arith.addi %bitcast3A_323, %add3A_325 : vector<16xi32>
        %and3A_327 = arith.constant -65536 : i32
        %and3A_328 = vector.broadcast %and3A_327 : i32 to vector<16xi32>
        %and3A_329 = arith.andi %add3A_326, %and3A_328 : vector<16xi32>
        %bitcast3A_330 = vector.bitcast %and3A_329 : vector<16xi32> to vector<16xf32>
        %mul3A_331 = arith.mulf %bitcast3A_330, %get3A_308 : vector<16xf32>
        %add3A_332 = arith.addf %scan3A_300, %mul3A_331 : vector<16xf32>
        %gather3A_333 = tpu.vector_load_idx %arg11[%add3A_15, %and3A_306] : memref<64x128xf32, #tpu.memory_space<vmem>>[vector<16xi32>, vector<16xi32>], vector<16xf32>,
        %gather3A_334 = tpu.vector_load_idx %arg12[%add3A_15, %and3A_306] : memref<64x128xf32, #tpu.memory_space<vmem>>[vector<16xi32>, vector<16xi32>], vector<16xf32>,
        %sub3A_335 = arith.subf %gather3A_333, %gather3A_334 : vector<16xf32>
        %abs3A_336 = math.absf %sub3A_335 : vector<16xf32>
        %bitcast3A_337 = vector.bitcast %abs3A_336 : vector<16xf32> to vector<16xi32>
        %add3A_338 = arith.constant 32768 : i32
        %add3A_339 = vector.broadcast %add3A_338 : i32 to vector<16xi32>
        %add3A_340 = arith.addi %bitcast3A_337, %add3A_339 : vector<16xi32>
        %and3A_341 = arith.constant -65536 : i32
        %and3A_342 = vector.broadcast %and3A_341 : i32 to vector<16xi32>
        %and3A_343 = arith.andi %add3A_340, %and3A_342 : vector<16xi32>
        %bitcast3A_344 = vector.bitcast %and3A_343 : vector<16xi32> to vector<16xf32>
        %mul3A_345 = arith.mulf %bitcast3A_344, %get3A_308 : vector<16xf32>
        %add3A_346 = arith.addf %scan3A_301, %mul3A_345 : vector<16xf32>
        %gather3A_347 = tpu.vector_load_idx %arg11[%add3A_19, %and3A_306] : memref<64x128xf32, #tpu.memory_space<vmem>>[vector<16xi32>, vector<16xi32>], vector<16xf32>,
        %gather3A_348 = tpu.vector_load_idx %arg12[%add3A_19, %and3A_306] : memref<64x128xf32, #tpu.memory_space<vmem>>[vector<16xi32>, vector<16xi32>], vector<16xf32>,
        %sub3A_349 = arith.subf %gather3A_347, %gather3A_348 : vector<16xf32>
        %abs3A_350 = math.absf %sub3A_349 : vector<16xf32>
        %bitcast3A_351 = vector.bitcast %abs3A_350 : vector<16xf32> to vector<16xi32>
        %add3A_352 = arith.constant 32768 : i32
        %add3A_353 = vector.broadcast %add3A_352 : i32 to vector<16xi32>
        %add3A_354 = arith.addi %bitcast3A_351, %add3A_353 : vector<16xi32>
        %and3A_355 = arith.constant -65536 : i32
        %and3A_356 = vector.broadcast %and3A_355 : i32 to vector<16xi32>
        %and3A_357 = arith.andi %add3A_354, %and3A_356 : vector<16xi32>
        %bitcast3A_358 = vector.bitcast %and3A_357 : vector<16xi32> to vector<16xf32>
        %mul3A_359 = arith.mulf %bitcast3A_358, %get3A_308 : vector<16xf32>
        %add3A_360 = arith.addf %scan3A_302, %mul3A_359 : vector<16xf32>
        %scan3A_361 = arith.constant 1 : i32
        %scan3A_362 = arith.addi %scan3A_298, %scan3A_361 : i32
        %add3A_363 = vector.broadcast %scan3A_362 : i32 to vector<16xi32>
        %add3A_364 = arith.addi %iota3A_20, %add3A_363 : vector<16xi32>
        %and3A_365 = arith.constant 127 : i32
        %and3A_366 = vector.broadcast %and3A_365 : i32 to vector<16xi32>
        %and3A_367 = arith.andi %add3A_364, %and3A_366 : vector<16xi32>
        %get3A_368 = arith.index_cast %scan3A_362 : i32 to index
        %get3A_369 = arith.constant 0 : index
        %get3A_370 = tpu.vector_load %arg14[%get3A_368, %get3A_369] {strides = array<i32>} : memref<128x16xf32, #tpu.memory_space<vmem>>, vector<16xf32>,
        %gather3A_371 = tpu.vector_load_idx %arg11[%add3A_7, %and3A_367] : memref<64x128xf32, #tpu.memory_space<vmem>>[vector<16xi32>, vector<16xi32>], vector<16xf32>,
        %gather3A_372 = tpu.vector_load_idx %arg12[%add3A_7, %and3A_367] : memref<64x128xf32, #tpu.memory_space<vmem>>[vector<16xi32>, vector<16xi32>], vector<16xf32>,
        %sub3A_373 = arith.subf %gather3A_371, %gather3A_372 : vector<16xf32>
        %abs3A_374 = math.absf %sub3A_373 : vector<16xf32>
        %bitcast3A_375 = vector.bitcast %abs3A_374 : vector<16xf32> to vector<16xi32>
        %add3A_376 = arith.constant 32768 : i32
        %add3A_377 = vector.broadcast %add3A_376 : i32 to vector<16xi32>
        %add3A_378 = arith.addi %bitcast3A_375, %add3A_377 : vector<16xi32>
        %and3A_379 = arith.constant -65536 : i32
        %and3A_380 = vector.broadcast %and3A_379 : i32 to vector<16xi32>
        %and3A_381 = arith.andi %add3A_378, %and3A_380 : vector<16xi32>
        %bitcast3A_382 = vector.bitcast %and3A_381 : vector<16xi32> to vector<16xf32>
        %mul3A_383 = arith.mulf %bitcast3A_382, %get3A_370 : vector<16xf32>
        %add3A_384 = arith.addf %add3A_318, %mul3A_383 : vector<16xf32>
        %gather3A_385 = tpu.vector_load_idx %arg11[%add3A_11, %and3A_367] : memref<64x128xf32, #tpu.memory_space<vmem>>[vector<16xi32>, vector<16xi32>], vector<16xf32>,
        %gather3A_386 = tpu.vector_load_idx %arg12[%add3A_11, %and3A_367] : memref<64x128xf32, #tpu.memory_space<vmem>>[vector<16xi32>, vector<16xi32>], vector<16xf32>,
        %sub3A_387 = arith.subf %gather3A_385, %gather3A_386 : vector<16xf32>
        %abs3A_388 = math.absf %sub3A_387 : vector<16xf32>
        %bitcast3A_389 = vector.bitcast %abs3A_388 : vector<16xf32> to vector<16xi32>
        %add3A_390 = arith.constant 32768 : i32
        %add3A_391 = vector.broadcast %add3A_390 : i32 to vector<16xi32>
        %add3A_392 = arith.addi %bitcast3A_389, %add3A_391 : vector<16xi32>
        %and3A_393 = arith.constant -65536 : i32
        %and3A_394 = vector.broadcast %and3A_393 : i32 to vector<16xi32>
        %and3A_395 = arith.andi %add3A_392, %and3A_394 : vector<16xi32>
        %bitcast3A_396 = vector.bitcast %and3A_395 : vector<16xi32> to vector<16xf32>
        %mul3A_397 = arith.mulf %bitcast3A_396, %get3A_370 : vector<16xf32>
        %add3A_398 = arith.addf %add3A_332, %mul3A_397 : vector<16xf32>
        %gather3A_399 = tpu.vector_load_idx %arg11[%add3A_15, %and3A_367] : memref<64x128xf32, #tpu.memory_space<vmem>>[vector<16xi32>, vector<16xi32>], vector<16xf32>,
        %gather3A_400 = tpu.vector_load_idx %arg12[%add3A_15, %and3A_367] : memref<64x128xf32, #tpu.memory_space<vmem>>[vector<16xi32>, vector<16xi32>], vector<16xf32>,
        %sub3A_401 = arith.subf %gather3A_399, %gather3A_400 : vector<16xf32>
        %abs3A_402 = math.absf %sub3A_401 : vector<16xf32>
        %bitcast3A_403 = vector.bitcast %abs3A_402 : vector<16xf32> to vector<16xi32>
        %add3A_404 = arith.constant 32768 : i32
        %add3A_405 = vector.broadcast %add3A_404 : i32 to vector<16xi32>
        %add3A_406 = arith.addi %bitcast3A_403, %add3A_405 : vector<16xi32>
        %and3A_407 = arith.constant -65536 : i32
        %and3A_408 = vector.broadcast %and3A_407 : i32 to vector<16xi32>
        %and3A_409 = arith.andi %add3A_406, %and3A_408 : vector<16xi32>
        %bitcast3A_410 = vector.bitcast %and3A_409 : vector<16xi32> to vector<16xf32>
        %mul3A_411 = arith.mulf %bitcast3A_410, %get3A_370 : vector<16xf32>
        %add3A_412 = arith.addf %add3A_346, %mul3A_411 : vector<16xf32>
        %gather3A_413 = tpu.vector_load_idx %arg11[%add3A_19, %and3A_367] : memref<64x128xf32, #tpu.memory_space<vmem>>[vector<16xi32>, vector<16xi32>], vector<16xf32>,
        %gather3A_414 = tpu.vector_load_idx %arg12[%add3A_19, %and3A_367] : memref<64x128xf32, #tpu.memory_space<vmem>>[vector<16xi32>, vector<16xi32>], vector<16xf32>,
        %sub3A_415 = arith.subf %gather3A_413, %gather3A_414 : vector<16xf32>
        %abs3A_416 = math.absf %sub3A_415 : vector<16xf32>
        %bitcast3A_417 = vector.bitcast %abs3A_416 : vector<16xf32> to vector<16xi32>
        %add3A_418 = arith.constant 32768 : i32
        %add3A_419 = vector.broadcast %add3A_418 : i32 to vector<16xi32>
        %add3A_420 = arith.addi %bitcast3A_417, %add3A_419 : vector<16xi32>
        %and3A_421 = arith.constant -65536 : i32
        %and3A_422 = vector.broadcast %and3A_421 : i32 to vector<16xi32>
        %and3A_423 = arith.andi %add3A_420, %and3A_422 : vector<16xi32>
        %bitcast3A_424 = vector.bitcast %and3A_423 : vector<16xi32> to vector<16xf32>
        %mul3A_425 = arith.mulf %bitcast3A_424, %get3A_370 : vector<16xf32>
        %add3A_426 = arith.addf %add3A_360, %mul3A_425 : vector<16xf32>
        %scan3A_427 = arith.constant 2 : i32
        %scan3A_428 = arith.addi %scan3A_298, %scan3A_427 : i32
        %add3A_429 = vector.broadcast %scan3A_428 : i32 to vector<16xi32>
        %add3A_430 = arith.addi %iota3A_20, %add3A_429 : vector<16xi32>
        %and3A_431 = arith.constant 127 : i32
        %and3A_432 = vector.broadcast %and3A_431 : i32 to vector<16xi32>
        %and3A_433 = arith.andi %add3A_430, %and3A_432 : vector<16xi32>
        %get3A_434 = arith.index_cast %scan3A_428 : i32 to index
        %get3A_435 = arith.constant 0 : index
        %get3A_436 = tpu.vector_load %arg14[%get3A_434, %get3A_435] {strides = array<i32>} : memref<128x16xf32, #tpu.memory_space<vmem>>, vector<16xf32>,
        %gather3A_437 = tpu.vector_load_idx %arg11[%add3A_7, %and3A_433] : memref<64x128xf32, #tpu.memory_space<vmem>>[vector<16xi32>, vector<16xi32>], vector<16xf32>,
        %gather3A_438 = tpu.vector_load_idx %arg12[%add3A_7, %and3A_433] : memref<64x128xf32, #tpu.memory_space<vmem>>[vector<16xi32>, vector<16xi32>], vector<16xf32>,
        %sub3A_439 = arith.subf %gather3A_437, %gather3A_438 : vector<16xf32>
        %abs3A_440 = math.absf %sub3A_439 : vector<16xf32>
        %bitcast3A_441 = vector.bitcast %abs3A_440 : vector<16xf32> to vector<16xi32>
        %add3A_442 = arith.constant 32768 : i32
        %add3A_443 = vector.broadcast %add3A_442 : i32 to vector<16xi32>
        %add3A_444 = arith.addi %bitcast3A_441, %add3A_443 : vector<16xi32>
        %and3A_445 = arith.constant -65536 : i32
        %and3A_446 = vector.broadcast %and3A_445 : i32 to vector<16xi32>
        %and3A_447 = arith.andi %add3A_444, %and3A_446 : vector<16xi32>
        %bitcast3A_448 = vector.bitcast %and3A_447 : vector<16xi32> to vector<16xf32>
        %mul3A_449 = arith.mulf %bitcast3A_448, %get3A_436 : vector<16xf32>
        %add3A_450 = arith.addf %add3A_384, %mul3A_449 : vector<16xf32>
        %gather3A_451 = tpu.vector_load_idx %arg11[%add3A_11, %and3A_433] : memref<64x128xf32, #tpu.memory_space<vmem>>[vector<16xi32>, vector<16xi32>], vector<16xf32>,
        %gather3A_452 = tpu.vector_load_idx %arg12[%add3A_11, %and3A_433] : memref<64x128xf32, #tpu.memory_space<vmem>>[vector<16xi32>, vector<16xi32>], vector<16xf32>,
        %sub3A_453 = arith.subf %gather3A_451, %gather3A_452 : vector<16xf32>
        %abs3A_454 = math.absf %sub3A_453 : vector<16xf32>
        %bitcast3A_455 = vector.bitcast %abs3A_454 : vector<16xf32> to vector<16xi32>
        %add3A_456 = arith.constant 32768 : i32
        %add3A_457 = vector.broadcast %add3A_456 : i32 to vector<16xi32>
        %add3A_458 = arith.addi %bitcast3A_455, %add3A_457 : vector<16xi32>
        %and3A_459 = arith.constant -65536 : i32
        %and3A_460 = vector.broadcast %and3A_459 : i32 to vector<16xi32>
        %and3A_461 = arith.andi %add3A_458, %and3A_460 : vector<16xi32>
        %bitcast3A_462 = vector.bitcast %and3A_461 : vector<16xi32> to vector<16xf32>
        %mul3A_463 = arith.mulf %bitcast3A_462, %get3A_436 : vector<16xf32>
        %add3A_464 = arith.addf %add3A_398, %mul3A_463 : vector<16xf32>
        %gather3A_465 = tpu.vector_load_idx %arg11[%add3A_15, %and3A_433] : memref<64x128xf32, #tpu.memory_space<vmem>>[vector<16xi32>, vector<16xi32>], vector<16xf32>,
        %gather3A_466 = tpu.vector_load_idx %arg12[%add3A_15, %and3A_433] : memref<64x128xf32, #tpu.memory_space<vmem>>[vector<16xi32>, vector<16xi32>], vector<16xf32>,
        %sub3A_467 = arith.subf %gather3A_465, %gather3A_466 : vector<16xf32>
        %abs3A_468 = math.absf %sub3A_467 : vector<16xf32>
        %bitcast3A_469 = vector.bitcast %abs3A_468 : vector<16xf32> to vector<16xi32>
        %add3A_470 = arith.constant 32768 : i32
        %add3A_471 = vector.broadcast %add3A_470 : i32 to vector<16xi32>
        %add3A_472 = arith.addi %bitcast3A_469, %add3A_471 : vector<16xi32>
        %and3A_473 = arith.constant -65536 : i32
        %and3A_474 = vector.broadcast %and3A_473 : i32 to vector<16xi32>
        %and3A_475 = arith.andi %add3A_472, %and3A_474 : vector<16xi32>
        %bitcast3A_476 = vector.bitcast %and3A_475 : vector<16xi32> to vector<16xf32>
        %mul3A_477 = arith.mulf %bitcast3A_476, %get3A_436 : vector<16xf32>
        %add3A_478 = arith.addf %add3A_412, %mul3A_477 : vector<16xf32>
        %gather3A_479 = tpu.vector_load_idx %arg11[%add3A_19, %and3A_433] : memref<64x128xf32, #tpu.memory_space<vmem>>[vector<16xi32>, vector<16xi32>], vector<16xf32>,
        %gather3A_480 = tpu.vector_load_idx %arg12[%add3A_19, %and3A_433] : memref<64x128xf32, #tpu.memory_space<vmem>>[vector<16xi32>, vector<16xi32>], vector<16xf32>,
        %sub3A_481 = arith.subf %gather3A_479, %gather3A_480 : vector<16xf32>
        %abs3A_482 = math.absf %sub3A_481 : vector<16xf32>
        %bitcast3A_483 = vector.bitcast %abs3A_482 : vector<16xf32> to vector<16xi32>
        %add3A_484 = arith.constant 32768 : i32
        %add3A_485 = vector.broadcast %add3A_484 : i32 to vector<16xi32>
        %add3A_486 = arith.addi %bitcast3A_483, %add3A_485 : vector<16xi32>
        %and3A_487 = arith.constant -65536 : i32
        %and3A_488 = vector.broadcast %and3A_487 : i32 to vector<16xi32>
        %and3A_489 = arith.andi %add3A_486, %and3A_488 : vector<16xi32>
        %bitcast3A_490 = vector.bitcast %and3A_489 : vector<16xi32> to vector<16xf32>
        %mul3A_491 = arith.mulf %bitcast3A_490, %get3A_436 : vector<16xf32>
        %add3A_492 = arith.addf %add3A_426, %mul3A_491 : vector<16xf32>
        %scan3A_493 = arith.constant 3 : i32
        %scan3A_494 = arith.addi %scan3A_298, %scan3A_493 : i32
        %add3A_495 = vector.broadcast %scan3A_494 : i32 to vector<16xi32>
        %add3A_496 = arith.addi %iota3A_20, %add3A_495 : vector<16xi32>
        %and3A_497 = arith.constant 127 : i32
        %and3A_498 = vector.broadcast %and3A_497 : i32 to vector<16xi32>
        %and3A_499 = arith.andi %add3A_496, %and3A_498 : vector<16xi32>
        %get3A_500 = arith.index_cast %scan3A_494 : i32 to index
        %get3A_501 = arith.constant 0 : index
        %get3A_502 = tpu.vector_load %arg14[%get3A_500, %get3A_501] {strides = array<i32>} : memref<128x16xf32, #tpu.memory_space<vmem>>, vector<16xf32>,
        %gather3A_503 = tpu.vector_load_idx %arg11[%add3A_7, %and3A_499] : memref<64x128xf32, #tpu.memory_space<vmem>>[vector<16xi32>, vector<16xi32>], vector<16xf32>,
        %gather3A_504 = tpu.vector_load_idx %arg12[%add3A_7, %and3A_499] : memref<64x128xf32, #tpu.memory_space<vmem>>[vector<16xi32>, vector<16xi32>], vector<16xf32>,
        %sub3A_505 = arith.subf %gather3A_503, %gather3A_504 : vector<16xf32>
        %abs3A_506 = math.absf %sub3A_505 : vector<16xf32>
        %bitcast3A_507 = vector.bitcast %abs3A_506 : vector<16xf32> to vector<16xi32>
        %add3A_508 = arith.constant 32768 : i32
        %add3A_509 = vector.broadcast %add3A_508 : i32 to vector<16xi32>
        %add3A_510 = arith.addi %bitcast3A_507, %add3A_509 : vector<16xi32>
        %and3A_511 = arith.constant -65536 : i32
        %and3A_512 = vector.broadcast %and3A_511 : i32 to vector<16xi32>
        %and3A_513 = arith.andi %add3A_510, %and3A_512 : vector<16xi32>
        %bitcast3A_514 = vector.bitcast %and3A_513 : vector<16xi32> to vector<16xf32>
        %mul3A_515 = arith.mulf %bitcast3A_514, %get3A_502 : vector<16xf32>
        %add3A_516 = arith.addf %add3A_450, %mul3A_515 : vector<16xf32>
        %gather3A_517 = tpu.vector_load_idx %arg11[%add3A_11, %and3A_499] : memref<64x128xf32, #tpu.memory_space<vmem>>[vector<16xi32>, vector<16xi32>], vector<16xf32>,
        %gather3A_518 = tpu.vector_load_idx %arg12[%add3A_11, %and3A_499] : memref<64x128xf32, #tpu.memory_space<vmem>>[vector<16xi32>, vector<16xi32>], vector<16xf32>,
        %sub3A_519 = arith.subf %gather3A_517, %gather3A_518 : vector<16xf32>
        %abs3A_520 = math.absf %sub3A_519 : vector<16xf32>
        %bitcast3A_521 = vector.bitcast %abs3A_520 : vector<16xf32> to vector<16xi32>
        %add3A_522 = arith.constant 32768 : i32
        %add3A_523 = vector.broadcast %add3A_522 : i32 to vector<16xi32>
        %add3A_524 = arith.addi %bitcast3A_521, %add3A_523 : vector<16xi32>
        %and3A_525 = arith.constant -65536 : i32
        %and3A_526 = vector.broadcast %and3A_525 : i32 to vector<16xi32>
        %and3A_527 = arith.andi %add3A_524, %and3A_526 : vector<16xi32>
        %bitcast3A_528 = vector.bitcast %and3A_527 : vector<16xi32> to vector<16xf32>
        %mul3A_529 = arith.mulf %bitcast3A_528, %get3A_502 : vector<16xf32>
        %add3A_530 = arith.addf %add3A_464, %mul3A_529 : vector<16xf32>
        %gather3A_531 = tpu.vector_load_idx %arg11[%add3A_15, %and3A_499] : memref<64x128xf32, #tpu.memory_space<vmem>>[vector<16xi32>, vector<16xi32>], vector<16xf32>,
        %gather3A_532 = tpu.vector_load_idx %arg12[%add3A_15, %and3A_499] : memref<64x128xf32, #tpu.memory_space<vmem>>[vector<16xi32>, vector<16xi32>], vector<16xf32>,
        %sub3A_533 = arith.subf %gather3A_531, %gather3A_532 : vector<16xf32>
        %abs3A_534 = math.absf %sub3A_533 : vector<16xf32>
        %bitcast3A_535 = vector.bitcast %abs3A_534 : vector<16xf32> to vector<16xi32>
        %add3A_536 = arith.constant 32768 : i32
        %add3A_537 = vector.broadcast %add3A_536 : i32 to vector<16xi32>
        %add3A_538 = arith.addi %bitcast3A_535, %add3A_537 : vector<16xi32>
        %and3A_539 = arith.constant -65536 : i32
        %and3A_540 = vector.broadcast %and3A_539 : i32 to vector<16xi32>
        %and3A_541 = arith.andi %add3A_538, %and3A_540 : vector<16xi32>
        %bitcast3A_542 = vector.bitcast %and3A_541 : vector<16xi32> to vector<16xf32>
        %mul3A_543 = arith.mulf %bitcast3A_542, %get3A_502 : vector<16xf32>
        %add3A_544 = arith.addf %add3A_478, %mul3A_543 : vector<16xf32>
        %gather3A_545 = tpu.vector_load_idx %arg11[%add3A_19, %and3A_499] : memref<64x128xf32, #tpu.memory_space<vmem>>[vector<16xi32>, vector<16xi32>], vector<16xf32>,
        %gather3A_546 = tpu.vector_load_idx %arg12[%add3A_19, %and3A_499] : memref<64x128xf32, #tpu.memory_space<vmem>>[vector<16xi32>, vector<16xi32>], vector<16xf32>,
        %sub3A_547 = arith.subf %gather3A_545, %gather3A_546 : vector<16xf32>
        %abs3A_548 = math.absf %sub3A_547 : vector<16xf32>
        %bitcast3A_549 = vector.bitcast %abs3A_548 : vector<16xf32> to vector<16xi32>
        %add3A_550 = arith.constant 32768 : i32
        %add3A_551 = vector.broadcast %add3A_550 : i32 to vector<16xi32>
        %add3A_552 = arith.addi %bitcast3A_549, %add3A_551 : vector<16xi32>
        %and3A_553 = arith.constant -65536 : i32
        %and3A_554 = vector.broadcast %and3A_553 : i32 to vector<16xi32>
        %and3A_555 = arith.andi %add3A_552, %and3A_554 : vector<16xi32>
        %bitcast3A_556 = vector.bitcast %and3A_555 : vector<16xi32> to vector<16xf32>
        %mul3A_557 = arith.mulf %bitcast3A_556, %get3A_502 : vector<16xf32>
        %add3A_558 = arith.addf %add3A_492, %mul3A_557 : vector<16xf32>
        scf.yield %add3A_516, %add3A_530, %add3A_544, %add3A_558 : vector<16xf32>, vector<16xf32>, vector<16xf32>, vector<16xf32>
      }
      %scan3A_250 = arith.constant 128 : i32
      %max3A_251 = arith.constant 0.000000e+00 : f32
      %max3A_252 = vector.broadcast %max3A_251 : f32 to vector<16xf32>
      %max3A_253 = arith.maximumf %scan3A_249#0, %max3A_252 : vector<16xf32>
      %swap3A_254 = arith.constant 1 : i32
      %swap3A_255 = arith.index_cast %swap3A_254 : i32 to index
      %swap3A_256 = arith.constant 0 : index
      %swap3A_257 = tpu.vector_load %arg13[%swap3A_255, %swap3A_256] {strides = array<i32>} : memref<2x64xf32, #tpu.memory_space<vmem>>, vector<16xf32>,
      tpu.vector_store %arg13[%swap3A_255, %swap3A_256], %max3A_253 {strides = array<i32>} : memref<2x64xf32, #tpu.memory_space<vmem>>, vector<16xf32>,
      %max3A_258 = arith.constant 0.000000e+00 : f32
      %max3A_259 = vector.broadcast %max3A_258 : f32 to vector<16xf32>
      %max3A_260 = arith.maximumf %scan3A_249#1, %max3A_259 : vector<16xf32>
      %swap3A_261 = arith.constant 1 : i32
      %swap3A_262 = arith.index_cast %swap3A_261 : i32 to index
      %swap3A_263 = arith.constant 16 : index
      %swap3A_264 = tpu.vector_load %arg13[%swap3A_262, %swap3A_263] {strides = array<i32>} : memref<2x64xf32, #tpu.memory_space<vmem>>, vector<16xf32>,
      tpu.vector_store %arg13[%swap3A_262, %swap3A_263], %max3A_260 {strides = array<i32>} : memref<2x64xf32, #tpu.memory_space<vmem>>, vector<16xf32>,
      %max3A_265 = arith.constant 0.000000e+00 : f32
      %max3A_266 = vector.broadcast %max3A_265 : f32 to vector<16xf32>
      %max3A_267 = arith.maximumf %scan3A_249#2, %max3A_266 : vector<16xf32>
      %swap3A_268 = arith.constant 1 : i32
      %swap3A_269 = arith.index_cast %swap3A_268 : i32 to index
      %swap3A_270 = arith.constant 32 : index
      %swap3A_271 = tpu.vector_load %arg13[%swap3A_269, %swap3A_270] {strides = array<i32>} : memref<2x64xf32, #tpu.memory_space<vmem>>, vector<16xf32>,
      tpu.vector_store %arg13[%swap3A_269, %swap3A_270], %max3A_267 {strides = array<i32>} : memref<2x64xf32, #tpu.memory_space<vmem>>, vector<16xf32>,
      %max3A_272 = arith.constant 0.000000e+00 : f32
      %max3A_273 = vector.broadcast %max3A_272 : f32 to vector<16xf32>
      %max3A_274 = arith.maximumf %scan3A_249#3, %max3A_273 : vector<16xf32>
      %swap3A_275 = arith.constant 1 : i32
      %swap3A_276 = arith.index_cast %swap3A_275 : i32 to index
      %swap3A_277 = arith.constant 48 : index
      %swap3A_278 = tpu.vector_load %arg13[%swap3A_276, %swap3A_277] {strides = array<i32>} : memref<2x64xf32, #tpu.memory_space<vmem>>, vector<16xf32>,
      tpu.vector_store %arg13[%swap3A_276, %swap3A_277], %max3A_274 {strides = array<i32>} : memref<2x64xf32, #tpu.memory_space<vmem>>, vector<16xf32>,
      %mul3A_279 = arith.constant 64 : i32
      %mul3A_280 = arith.muli %add3A_210, %mul3A_279 : i32
      %add3A_281 = arith.addi %mul3A_2, %mul3A_280 : i32
      %dma_start3A_282 = arith.constant 1 : i32
      %dma_start3A_283 = arith.constant 0 : i32
      %dma_start3A_284 = tpu.memref_slice %arg13[%dma_start3A_282, %dma_start3A_283] : memref<2x64xf32, #tpu.memory_space<vmem>> -> memref<1x64xf32, #tpu.memory_space<vmem>>
      %dma_start3A_285 = tpu.memref_squeeze %dma_start3A_284 : memref<1x64xf32, #tpu.memory_space<vmem>> -> memref<64xf32, #tpu.memory_space<vmem>>
      %dma_start3A_286 = tpu.memref_slice %arg6[%add3A_281] : memref<327680xf32, #tpu.memory_space<hbm>> -> memref<64xf32, #tpu.memory_space<hbm>>
      %dma_start3A_287 = tpu.memref_slice %arg6[%add3A_281] : memref<327680xf32, #tpu.memory_space<hbm>> -> memref<64xf32, #tpu.memory_space<hbm>>
      %dma_start3A_288 = arith.constant 0 : i32
      %dma_start3A_289 = tpu.memref_slice %arg13[%dma_start3A_282, %dma_start3A_288] : memref<2x64xf32, #tpu.memory_space<vmem>> -> memref<1x64xf32, #tpu.memory_space<vmem>>
      %dma_start3A_290 = tpu.memref_squeeze %dma_start3A_289 : memref<1x64xf32, #tpu.memory_space<vmem>> -> memref<64xf32, #tpu.memory_space<vmem>>
      tpu.enqueue_dma source(%dma_start3A_290 : memref<64xf32, #tpu.memory_space<vmem>>) target(%dma_start3A_287 : memref<64xf32, #tpu.memory_space<hbm>>) target_semaphore(%arg23 : memref<!tpu.dma_semaphore, #tpu.memory_space<semaphore_mem>>)
      %add3A_291 = arith.constant 2 : i32
      %add3A_292 = arith.addi %add3A_210, %add3A_291 : i32
      %lt3A_293 = arith.constant 160 : i32
      %lt3A_294 = arith.cmpi slt, %add3A_292, %lt3A_293 : i32
      %convert_element_type3A_295 = arith.extui %lt3A_294 : i1 to i32
      %cond3A_296 = arith.constant 0 : i32
      %cond3A_297 = arith.cmpi ne, %convert_element_type3A_295, %cond3A_296 : i32
      scf.if %cond3A_297 {
        %add3A_298 = arith.constant 2 : i32
        %add3A_299 = arith.addi %add3A_210, %add3A_298 : i32
        %mul3A_300 = arith.constant 64 : i32
        %mul3A_301 = arith.muli %add3A_299, %mul3A_300 : i32
        %add3A_302 = arith.addi %mul3A_2, %mul3A_301 : i32
        %dma_start3A_303 = arith.constant 1 : i32
        %dma_start3A_304 = arith.constant 0 : i32
        %dma_start3A_305 = tpu.memref_slice %arg7[%dma_start3A_303, %dma_start3A_304] : memref<2x64xi32, #tpu.memory_space<vmem>> -> memref<1x64xi32, #tpu.memory_space<vmem>>
        %dma_start3A_306 = tpu.memref_squeeze %dma_start3A_305 : memref<1x64xi32, #tpu.memory_space<vmem>> -> memref<64xi32, #tpu.memory_space<vmem>>
        %dma_start3A_307 = tpu.memref_slice %arg3[%add3A_302] : memref<327680xi32, #tpu.memory_space<hbm>> -> memref<64xi32, #tpu.memory_space<hbm>>
        %dma_start3A_308 = arith.constant 0 : i32
        %dma_start3A_309 = tpu.memref_slice %arg7[%dma_start3A_303, %dma_start3A_308] : memref<2x64xi32, #tpu.memory_space<vmem>> -> memref<1x64xi32, #tpu.memory_space<vmem>>
        %dma_start3A_310 = tpu.memref_squeeze %dma_start3A_309 : memref<1x64xi32, #tpu.memory_space<vmem>> -> memref<64xi32, #tpu.memory_space<vmem>>
        %dma_start3A_311 = tpu.memref_slice %arg3[%add3A_302] : memref<327680xi32, #tpu.memory_space<hbm>> -> memref<64xi32, #tpu.memory_space<hbm>>
        tpu.enqueue_dma source(%dma_start3A_311 : memref<64xi32, #tpu.memory_space<hbm>>) target(%dma_start3A_310 : memref<64xi32, #tpu.memory_space<vmem>>) target_semaphore(%arg21 : memref<!tpu.dma_semaphore, #tpu.memory_space<semaphore_mem>>)
        %dma_start3A_312 = arith.constant 1 : i32
        %dma_start3A_313 = arith.constant 0 : i32
        %dma_start3A_314 = tpu.memref_slice %arg8[%dma_start3A_312, %dma_start3A_313] : memref<2x64xi32, #tpu.memory_space<vmem>> -> memref<1x64xi32, #tpu.memory_space<vmem>>
        %dma_start3A_315 = tpu.memref_squeeze %dma_start3A_314 : memref<1x64xi32, #tpu.memory_space<vmem>> -> memref<64xi32, #tpu.memory_space<vmem>>
        %dma_start3A_316 = tpu.memref_slice %arg4[%add3A_302] : memref<327680xi32, #tpu.memory_space<hbm>> -> memref<64xi32, #tpu.memory_space<hbm>>
        %dma_start3A_317 = arith.constant 0 : i32
        %dma_start3A_318 = tpu.memref_slice %arg8[%dma_start3A_312, %dma_start3A_317] : memref<2x64xi32, #tpu.memory_space<vmem>> -> memref<1x64xi32, #tpu.memory_space<vmem>>
        %dma_start3A_319 = tpu.memref_squeeze %dma_start3A_318 : memref<1x64xi32, #tpu.memory_space<vmem>> -> memref<64xi32, #tpu.memory_space<vmem>>
        %dma_start3A_320 = tpu.memref_slice %arg4[%add3A_302] : memref<327680xi32, #tpu.memory_space<hbm>> -> memref<64xi32, #tpu.memory_space<hbm>>
        tpu.enqueue_dma source(%dma_start3A_320 : memref<64xi32, #tpu.memory_space<hbm>>) target(%dma_start3A_319 : memref<64xi32, #tpu.memory_space<vmem>>) target_semaphore(%arg21 : memref<!tpu.dma_semaphore, #tpu.memory_space<semaphore_mem>>)
      } else {
      }
    }
    %scan3A_96 = arith.constant 80 : i32
    %add3A_97 = arith.constant 10112 : i32
    %add3A_98 = arith.addi %mul3A_2, %add3A_97 : i32
    %dma_wait3A_99 = arith.constant 0 : i32
    %dma_wait3A_100 = arith.constant 0 : i32
    %dma_wait3A_101 = tpu.memref_slice %arg13[%dma_wait3A_99, %dma_wait3A_100] : memref<2x64xf32, #tpu.memory_space<vmem>> -> memref<1x64xf32, #tpu.memory_space<vmem>>
    %dma_wait3A_102 = tpu.memref_squeeze %dma_wait3A_101 : memref<1x64xf32, #tpu.memory_space<vmem>> -> memref<64xf32, #tpu.memory_space<vmem>>
    %dma_wait3A_103 = tpu.memref_slice %arg6[%add3A_98] : memref<327680xf32, #tpu.memory_space<hbm>> -> memref<64xf32, #tpu.memory_space<hbm>>
    %dma_wait3A_104 = tpu.memref_slice %arg6[%add3A_98] : memref<327680xf32, #tpu.memory_space<hbm>> -> memref<64xf32, #tpu.memory_space<hbm>>
    %dma_wait3A_105 = arith.constant 0 : i32
    %dma_wait3A_106 = tpu.memref_slice %arg13[%dma_wait3A_99, %dma_wait3A_105] : memref<2x64xf32, #tpu.memory_space<vmem>> -> memref<1x64xf32, #tpu.memory_space<vmem>>
    %dma_wait3A_107 = tpu.memref_squeeze %dma_wait3A_106 : memref<1x64xf32, #tpu.memory_space<vmem>> -> memref<64xf32, #tpu.memory_space<vmem>>
    tpu.wait_dma2 semaphore(%arg22 : memref<!tpu.dma_semaphore, #tpu.memory_space<semaphore_mem>>) src(%dma_wait3A_107 : memref<64xf32, #tpu.memory_space<vmem>>) dst(%dma_wait3A_104 : memref<64xf32, #tpu.memory_space<hbm>>)
    %add3A_108 = arith.constant 10176 : i32
    %add3A_109 = arith.addi %mul3A_2, %add3A_108 : i32
    %dma_wait3A_110 = arith.constant 1 : i32
    %dma_wait3A_111 = arith.constant 0 : i32
    %dma_wait3A_112 = tpu.memref_slice %arg13[%dma_wait3A_110, %dma_wait3A_111] : memref<2x64xf32, #tpu.memory_space<vmem>> -> memref<1x64xf32, #tpu.memory_space<vmem>>
    %dma_wait3A_113 = tpu.memref_squeeze %dma_wait3A_112 : memref<1x64xf32, #tpu.memory_space<vmem>> -> memref<64xf32, #tpu.memory_space<vmem>>
    %dma_wait3A_114 = tpu.memref_slice %arg6[%add3A_109] : memref<327680xf32, #tpu.memory_space<hbm>> -> memref<64xf32, #tpu.memory_space<hbm>>
    %dma_wait3A_115 = tpu.memref_slice %arg6[%add3A_109] : memref<327680xf32, #tpu.memory_space<hbm>> -> memref<64xf32, #tpu.memory_space<hbm>>
    %dma_wait3A_116 = arith.constant 0 : i32
    %dma_wait3A_117 = tpu.memref_slice %arg13[%dma_wait3A_110, %dma_wait3A_116] : memref<2x64xf32, #tpu.memory_space<vmem>> -> memref<1x64xf32, #tpu.memory_space<vmem>>
    %dma_wait3A_118 = tpu.memref_squeeze %dma_wait3A_117 : memref<1x64xf32, #tpu.memory_space<vmem>> -> memref<64xf32, #tpu.memory_space<vmem>>
    tpu.wait_dma2 semaphore(%arg23 : memref<!tpu.dma_semaphore, #tpu.memory_space<semaphore_mem>>) src(%dma_wait3A_118 : memref<64xf32, #tpu.memory_space<vmem>>) dst(%dma_wait3A_115 : memref<64xf32, #tpu.memory_space<hbm>>)
    return
  }
}

module attributes {stable_mosaic.version = 14 : i64} {
  func.func @body(%arg0: i32, %arg1: memref<1000x128xf32, #tpu.memory_space<vmem>>, %arg2: memref<128x128xf32, #tpu.memory_space<vmem>>, %arg3: memref<1000x128xf32, #tpu.memory_space<vmem>>) attributes {dimension_semantics = [#tpu.dimension_semantics<arbitrary>], iteration_bounds = array<i64: 10>, scalar_prefetch = 0 : i64, scratch_operands = 0 : i64, tpu.core_type = #tpu.core_type<tc>, window_params = [{transform_indices = @transform_0, window_bounds = array<i64: 1000, 128>}, {pipeline_mode = #tpu.pipeline_mode<synchronous>, transform_indices = @transform_1, window_bounds = array<i64: 128, 128>}, {transform_indices = @transform_2, window_bounds = array<i64: 1000, 128>}]} {
    %get3A = arith.constant 0 : index
    %get3A_0 = arith.constant 0 : index
    %get3A_1 = vector.load %arg1[%get3A, %get3A_0] : memref<1000x128xf32, #tpu.memory_space<vmem>>, vector<1000x128xf32>
    %convert_element_type3A = arith.truncf %get3A_1 : vector<1000x128xf32> to vector<1000x128xbf16>
    %get3A_2 = arith.constant 0 : index
    %get3A_3 = arith.constant 0 : index
    %get3A_4 = vector.load %arg2[%get3A_2, %get3A_3] : memref<128x128xf32, #tpu.memory_space<vmem>>, vector<128x128xf32>
    %convert_element_type3A_5 = arith.truncf %get3A_4 : vector<128x128xf32> to vector<128x128xbf16>
    %dot_general3A = arith.constant dense<0.000000e+00> : vector<1000x128xf32>
    %dot_general3A_6 = tpu.matmul %convert_element_type3A, %convert_element_type3A_5, %dot_general3A {dimension_numbers = #tpu.dot_dimension_numbers<[1], [0], [0], [1], [0, 0, 1, 1], [], []>, transpose_lhs_hint = false} : vector<1000x128xbf16>, vector<128x128xbf16>, vector<1000x128xf32> -> vector<1000x128xf32>
    %swap3A = arith.constant 0 : index
    %swap3A_7 = arith.constant 0 : index
    %swap3A_8 = vector.load %arg3[%swap3A, %swap3A_7] : memref<1000x128xf32, #tpu.memory_space<vmem>>, vector<1000x128xf32>
    tpu.vector_store %arg3[%swap3A, %swap3A_7], %dot_general3A_6 {strides = array<i32>} : memref<1000x128xf32, #tpu.memory_space<vmem>>, vector<1000x128xf32>,
    return
  }
  func.func @transform_0(%arg0: i32) -> (i32, i32) {
    %c0_i32 = arith.constant 0 : i32
    %c0_i32_0 = arith.constant 0 : i32
    return %arg0, %c0_i32 : i32, i32
  }
  func.func @transform_1(%arg0: i32) -> (i32, i32) {
    %c0_i32 = arith.constant 0 : i32
    %c0_i32_0 = arith.constant 0 : i32
    %c0_i32_1 = arith.constant 0 : i32
    return %c0_i32, %c0_i32_0 : i32, i32
  }
  func.func @transform_2(%arg0: i32) -> (i32, i32) {
    %c0_i32 = arith.constant 0 : i32
    %c0_i32_0 = arith.constant 0 : i32
    return %arg0, %c0_i32 : i32, i32
  }
}

</mosaic_0001>

<sc_bundles>
// kernel: kernel.4.cloned.1.call-start
scs
__scs_entry_jumppad:
0x0: {  	(pc) =	sbr.rel $0x88, $3  }
0x1: {  	(tag) =	ssettag $0x0;
	lr =	simm.s32 $0x1  }
0x2: {  	[smem:$0x3F9D] =	sst lr;
	_ =	strace $0xD0000000  }
0x3: {  	_ = 	snop  }
0x4: {  	_ = 	snop  }
0x5: {  	_ = 	snop  }
0x6: {  	_ = 	snop  }
0x7: {  	_ = 	snop  }
__scs_overlays_trampoline_lowered:
0x8: {  	[smem:$0x3FAC] =	sst s0  }
0x9: {  	[smem:$0x3FAD] =	sst s1  }
0xa: {  	[smem:$0x3FAE] =	sst s2  }
0xb: {  	[smem:$0x3FAF] =	sst s3  }
0xc: {  	[smem:$0x3FB0] =	sst s4  }
0xd: {  	[smem:$0x3FB1] =	sst s5  }
0xe: {  	[smem:$0x3FB2] =	sst s6  }
0xf: {  	[smem:$0x3FB3] =	sst s7  }
0x10: {  	[smem:$0x3FB4] =	sst s8  }
0x11: {  	[smem:$0x3FB5] =	sst s9;
	s0 =	simm.s32 @!p0 $0x0  }
0x12: {  	s1 =	sld [smem:$0x3F9B];
	s0 =	simm.s32 @p0 $0x1  }
0x13: {  	[smem:$0x3FB6] =	sst s0;
	s0 =	simm.s32 @!p1 $0x0  }
0x14: {  	s2 =	sld [smem:$0x3F9A];
	s0 =	simm.s32 @p1 $0x1  }
0x15: {  	[smem:$0x3FB7] =	sst s0;
	s0 =	simm.s32 @!p2 $0x0  }
0x16: {  	s3 =	sld [smem:$0x3FDB];
	s0 =	simm.s32 @p2 $0x1  }
0x17: {  	s4 =	simm.s32 $0x1BF5;
	[smem:$0x3FB9] =	sst s0  }
0x18: {  	s0 =	sld [smem:$0x3F9C];
	_ =	swait.ge [sflag:s4], $0x0  }
0x19: {  	s7 =	sld [smem:$0x3F9D]  }
0x1a: {  	s8 =	sadd.s32 $0xFFFFE003, lr  }
0x1b: {  	s9 =	sadd.s32 $0xFFFFFEF7, lr;
	s5 =	simm.s32 $0xFFFFFFFF;
	p2 =	slt.u32 s8, $0xFFFFF086  }
0x1c: {  	p1 =	slt.u32 s9, $0xF7A;
	s5 =	simm.s32 @!p2 $0x0  }
0x1d: {  	s5 =	simm.s32 @p1 $0x1;
	p0 =	seq.s32 s7, s2  }
0x1e: {  	s7 =	smul.u32 @!p0 $0xF7A, s2;
	p2 =	seq.s32 @!p0 s5, $0x0  }
0x1f: {  	s9 =	smul.u32 $0xF7A, s1;
	s8 =	simm.s32 @!p0 $0x1BF5;
	p2 =	por !p2, p0  }
0x20: {  	[sflag:s8] =	ssyncset.s32 @!p0 $0xFFFFF086;
	s6 =	sadd.s32 @!p0 s3, s7;
	s7 =	simm.s32 @!p0 $0x108  }
0x21: {  	s3 =	sadd.s32 s3, s9;
	s6 =	sadd.s32 @!p0 $0x88, s6;
	s7 =	simm.s32 @p2 $0x1082  }
0x22: {  	[simem:s7], [sflag:s8] =	dma.local @!p0 [hbm:s6], $0xF7A  }
0x23: {  	s9 =	sor.u32 $0xD0000000, s2;
	s6 =	simm.s32 $0x108;
	_ =	swait.ge @!p0 [sflag:s8], $0x0  }
0x24: {  	s3 =	sadd.s32 $0x88, s3;
	s6 =	simm.s32 @!p1 $0x1082;
	[sflag:s4] =	ssyncset.s32 $0xFFFFF086  }
0x25: {  	[simem:s6], [sflag:s4] =	dma.local [hbm:s3], $0xF7A  }
0x26: {  	[smem:$0x3F9D] =	sst s1;
	(tag) =	ssettag s2;
	_ =	strace s9  }
0x27: {  	s1 =	sld [smem:$0x3FAD]  }
0x28: {  	s2 =	sld [smem:$0x3FAE]  }
0x29: {  	s4 =	sld [smem:$0x3FB0]  }
0x2a: {  	p0 =	seq.s32 s5, $0x0;
	s5 =	sld [smem:$0x3FB1]  }
0x2b: {  	s6 =	sld [smem:$0x3FB2]  }
0x2c: {  	s7 =	sld [smem:$0x3FB3]  }
0x2d: {  	s3 =	simm.s32 $0x108;
	s8 =	sld [smem:$0x3FB4]  }
0x2e: {  	s3 =	simm.s32 @!p0 $0x1082;
	s9 =	sld [smem:$0x3FB5]  }
0x2f: {  	lr =	sadd.s32 s0, s3;
	s0 =	sld [smem:$0x3FAC]  }
0x30: {  	s3 =	sld [smem:$0x3FAF]  }
0x31: {  	[smem:$0x3FB8] =	sst s10  }
0x32: {  	s10 =	sld [smem:$0x3FB6];
	_ =	sdelay $0x3  }
0x33: {  	p0 =	seq.s32 s10, $0x1;
	s10 =	sld [smem:$0x3FB8];
	_ =	sdelay $0x3  }
0x34: {  	[smem:$0x3FB8] =	sst s10  }
0x35: {  	s10 =	sld [smem:$0x3FB7];
	_ =	sdelay $0x3  }
0x36: {  	p1 =	seq.s32 s10, $0x1;
	s10 =	sld [smem:$0x3FB8];
	_ =	sdelay $0x3  }
0x37: {  	[smem:$0x3FB8] =	sst s10  }
0x38: {  	s10 =	sld [smem:$0x3FB9]  }
0x39: {  	_ = 	snop;
	(pc) =	sbr.ind lr, $3  }
0x3a: {  	_ = 	snop  }
0x3b: {  	_ = 	snop  }
0x3c: {  	p2 =	seq.s32 s10, $0x1;
	s10 =	sld [smem:$0x3FB8]  }
0x3d: {  	_ =	shalt  }
0x3e: {  	_ =	shalt  }
0x3f: {  	_ =	shalt  }
0x40: {  	_ =	shalt  }
0x41: {  	_ =	shalt  }
0x42: {  	_ =	shalt  }
0x43: {  	_ =	shalt  }
0x44: {  	_ =	shalt  }
0x45: {  	_ =	shalt  }
0x46: {  	_ =	shalt  }
0x47: {  	_ =	shalt  }
0x48: {  	_ =	shalt  }
0x49: {  	_ =	shalt  }
0x4a: {  	_ =	shalt  }
0x4b: {  	_ =	shalt  }
0x4c: {  	_ =	shalt  }
0x4d: {  	_ =	shalt  }
0x4e: {  	_ =	shalt  }
0x4f: {  	_ =	shalt  }
0x50: {  	_ =	shalt  }
0x51: {  	_ =	shalt  }
0x52: {  	_ =	shalt  }
0x53: {  	_ =	shalt  }
0x54: {  	_ =	shalt  }
0x55: {  	_ =	shalt  }
0x56: {  	_ =	shalt  }
0x57: {  	_ =	shalt  }
0x58: {  	_ =	shalt  }
0x59: {  	_ =	shalt  }
0x5a: {  	_ =	shalt  }
0x5b: {  	_ =	shalt  }
0x5c: {  	_ =	shalt  }
0x5d: {  	_ =	shalt  }
0x5e: {  	_ =	shalt  }
0x5f: {  	_ =	shalt  }
0x60: {  	_ =	shalt  }
0x61: {  	_ =	shalt  }
0x62: {  	_ =	shalt  }
0x63: {  	_ =	shalt  }
0x64: {  	_ =	shalt  }
0x65: {  	_ =	shalt  }
0x66: {  	_ =	shalt  }
0x67: {  	_ =	shalt  }
0x68: {  	_ =	shalt  }
0x69: {  	_ =	shalt  }
0x6a: {  	_ =	shalt  }
0x6b: {  	_ =	shalt  }
0x6c: {  	_ =	shalt  }
0x6d: {  	_ =	shalt  }
0x6e: {  	_ =	shalt  }
0x6f: {  	_ =	shalt  }
0x70: {  	_ =	shalt  }
0x71: {  	_ =	shalt  }
0x72: {  	_ =	shalt  }
0x73: {  	_ =	shalt  }
0x74: {  	_ =	shalt  }
0x75: {  	_ =	shalt  }
0x76: {  	_ =	shalt  }
0x77: {  	_ =	shalt  }
0x78: {  	_ =	shalt  }
0x79: {  	_ =	shalt  }
0x7a: {  	_ =	shalt  }
0x7b: {  	_ =	shalt  }
0x7c: {  	_ =	shalt  }
0x7d: {  	_ =	shalt  }
0x7e: {  	_ =	shalt  }
0x7f: {  	_ =	shalt  }
0x80: {  	_ =	shalt  }
0x81: {  	_ =	shalt  }
0x82: {  	_ =	shalt  }
0x83: {  	_ =	shalt  }
0x84: {  	_ =	shalt  }
0x85: {  	_ =	shalt  }
0x86: {  	_ =	shalt  }
0x87: {  	_ =	shalt  }
.Lfunc_end0:
.L_simem_size_0:
called_computation_lowered:
.L_overlay_start_0:
0x88: {  	s2 =	sld [smem:$0x3FD9]  }
0x89: {  	s3 =	sld [smem:$0x3FFE];
	_ =	sdelay $0x1  }
0x8a: {  	s1 =	srdreg.scid  }
0x8b: {  	s0 =	sand.u32 $0x1, s1  }
0x8c: {  	s14 =	sshll.u32 s0, $0xA;
	s2 =	sadd.s32 s3, s2  }
0x8d: {  	s2 =	sadd.s32 s2, s14  }
0x8e: {  	[smem:$0x3FC4] =	sst s2  }
0x8f: {  	_ = 	snop  }
0x90: {  	s2 =	sld [smem:$0x3FD0];
	_ =	sdelay $0x2  }
0x91: {  	s15 =	simm.s32 $0xA;
	s4 =	simm.s32 $0x10  }
0x92: {  	[smem:s4], [sflag:s15] =	dma.local [hbm:s2], $0x1  }
0x93: {  	_ =	swait.eq [sflag:s15], $0x1  }
0x94: {  	[sflag:s15] =	ssyncset.done $0x0  }
0x95: {  	s16 =	sld [smem:$0x10];
	[sflag:s15] =	ssyncadd.s32 $0xFFFFFFFF  }
0x96: {  	s17 =	sld [smem:$0x11];
	(tm) =	ssettm $0x1  }
0x97: {  	s18 =	sld [smem:$0x3FFB];
	_ =	sdelay $0x3  }
0x98: {  	_ =	strace s18  }
0x99: {  	s4 =	sld [smem:$0x3FFC];
	_ =	sdelay $0x3  }
0x9a: {  	_ =	strace s4  }
0x9b: {  	s4 =	sld [smem:$0x3FFD];
	_ =	sdelay $0x3  }
0x9c: {  	_ =	strace s4  }
0x9d: {  	_ =	strace $0x8FFFFFFF  }
0x9e: {  	s19 =	sld [smem:$0x3FDB];
	_ =	sdelay $0x1  }
0x9f: {  	s5 =	simm.s32 $_scs_section_size  }
0xa0: {  	s6 =	simm.s32 $_size__tile_overlayer_lowered;
	s7 =	simm.s32 $_tile_overlayer_lowered  }
0xa1: {  	s22 =	simm.s32 $0x1BFF;
	s21 =	sshll.u32 s7, $0x1;
	s4 =	sadd.s32 s5, s19  }
0xa2: {  	s8 =	simm.s32 $0x0;
	s20 =	sshll.u32 s6, $0x1;
	s6 =	sadd.s32 s21, s4  }
0xa3: {  	[timem:s8], [sflag:s22] =	dma.local [hbm:s6], s20  }
0xa4: {  	_ =	swait.ge [sflag:s22], s20  }
0xa5: {  	s5 =	ssub.s32 $0x0, s20;
	[sflag:s22] =	ssyncset.done $0x0  }
0xa6: {  	[sflag:s22] =	ssyncadd.s32 s5;
	_ =	sdelay $0x1  }
0xa7: {  	s23 =	simm.s32 $0x1B8B  }
0xa8: {  	_ =	swait.ge [sflag:s23], $0x1  }
0xa9: {  	[sflag:s23] =	ssyncset.done $0x0  }
0xaa: {  	s25 =	simm.s32 $0x1B8E;
	s24 =	sld [smem:$0x3FFE];
	[sflag:s23] =	ssyncadd.s32 $0xFFFFFFFF  }
0xab: {  	s26 =	simm.s32 $execute0_lowered;
	[smem:$0x3FD2] =	sst s25  }
0xac: {  	s6 =	sshll.u32 s26, $0x1;
	_ =	strace $0x80000046;
	[dreg:$0x1] =	wrdreg $0xFFFFFFFF  }
0xad: {  	s28 =	simm.s32 $_size_execute0_lowered;
	s4 =	sadd.s32 s4, s6;
	[dreg:$0x0] =	wrdreg $0x0  }
0xae: {  	s6 =	sshll.u32 s28, $0x1;
	[dreg:$0x2] =	wrdreg s4  }
0xaf: {  	[dreg:$0x3] =	wrdreg s6  }
0xb0: {  	[dreg:$0x4] =	wrdreg $0xC0  }
0xb1: {  	_ =	task [dreg:s8], $0x5FFFF  }
0xb2: {  	[dreg:$0x1] =	wrdreg $0xFFFFFFFF  }
0xb3: {  	[dreg:$0x0] =	wrdreg $0x60  }
0xb4: {  	[dreg:$0x2] =	wrdreg s16  }
0xb5: {  	[dreg:$0x3] =	wrdreg s24  }
0xb6: {  	[dreg:$0x4] =	wrdreg s17  }
0xb7: {  	[dreg:$0x5] =	wrdreg $0xC3000  }
0xb8: {  	[dreg:$0x6] =	wrdreg $0x9  }
0xb9: {  	_ =	task.clear_ibuf [dreg:s8], $0x7FFFF;
	_ =	strace $0x90000046  }
0xba: {  	s29 =	simm.s32 $0x9;
	_ =	strace $0x80000048  }
0xbb: {  	_ =	swait.ge [sflag:s29], $0x1  }
0xbc: {  	[sflag:s29] =	ssyncadd.s32 $0xFFFFFFFF  }
0xbd: {  	_ =	strace $0x90000048  }
0xbe: {  	_ =	sfence  }
0xbf: {  	s30 =	sld [smem:$0x0];
	_ =	sdelay $0x2  }
0xc0: {  	s31 =	sshll.u32 s1, $0xD;
	s1 =	sshrl.u32 s1, $0x2  }
0xc1: {  	s3 =	sand.u32 $0x4000, s31;
	s1 =	sadd.s32 s1, s30  }
0xc2: {  	s0 =	sor.u32 s3, s0;
	s1 =	sshll.u32 s1, $0x11  }
0xc3: {  	s0 =	sor.u32 s1, s0  }
0xc4: {  	s0 =	sadd.s32 $0x8F2B, s0  }
0xc5: {  	[sflag:s0] =	ssyncadd.remote.s32 $0x1  }
0xc6: {  	_ =	sfence.sel $0xFFFF  }
0xc7: {  	[dreg:$0x0] =	wrdreg $0xFFFFFFFF;
	(pc) =	sbr.abs _section_cstart, $3  }
0xc8: {  	[dreg:$0x1] =	wrdreg $0xFFFFFFFF  }
0xc9: {  	_ =	task.clear_ibuf [dreg:s8], $0x2FFFF;
	_ =	strace $0x9FFFFFFF  }
0xca: {  	(tm) =	ssettm $0x7FFFFFFF  }
0xcb: {  	_ =	shalt  }
tec
execute0_lowered:
.L_overlay_start_1:
0x0: {  	(tag) =	ssettag $0x1  }
0x1: {  	s0 =	rddreg [dreg:$0x0]  }
0x2: {  	s1 =	rddreg [dreg:$0x1]  }
0x3: {  	s3 =	rddreg [dreg:$0x3];
	s2 =	srdreg.scid  }
0x4: {  	s11 =	stileid.u32;
	s4 =	simm.s32 $0x0;
	s28 =	simm.s32 $0x200  }
0x5: {  	s29 =	simm.s32 $0x2200;
	s30 =	simm.s32 $0x6;
	s31 =	simm.s32 $0x4200  }
0x6: {  	s20 =	simm.s32 $0x8200;
	s13 =	simm.s32 $0x0;
	s2 =	sand.u32 $0x1, s2  }
0x7: {  	s5 =	sshll.u32 s11, $0x1;
	[smem:$0x7FF] =	sst s4;
	s9 =	smul.u32 $0x7D000, s11  }
0x8: {  	s7 =	sadd.s32 $0xC00, s1;
	s8 =	sadd.s32 $0x14C00, s1;
	s10 =	smul.u32 $0x3E80, s11  }
0x9: {  	p0 =	sgt.u32 s11, $0x9;
	s6 =	sor.u32 s2, s5;
	_ =	strace $0x80000047  }
0xa: {  	s5 =	sadd.s32 $0xAC00, s1;
	s2 =	ssub.s32 $0x2, s2;
	s6 =	smul.u32 $0x2800, s6  }
0xb: {  	s21 =	sshrl.u32 s2, $0x1;
	s22 =	sshrl.u32 s9, $0x2;
	s0 =	sadd.s32 s0, s10  }
0xc: {  	s10 =	simm.s32 $0x8280;
	s1 =	ssub.s32 s2, s21;
	s2 =	sadd.s32 s22, s3  }
0xd: {  	[dreg:$0x5] =	wrdreg s0;
	s22 =	simm.s32 $0x4;
	s23 =	sshrl.u32 s6, $0x3  }
0xe: {  	s14 =	sor.u32 $0x80, s6;
	s15 =	sor.u32 $0x40, s6;
	s1 =	smax.u32 s1, $0x1  }
0xf: {  	s16 =	sor.u32 $0xC0, s6;
	s25 =	sadd.s32 s5, s23;
	[dreg:$0xa] =	wrdreg s1  }
0x10: {  	s24 =	sor.u32 $0x8, s23;
	s9 =	sadd.s32 s7, s23;
	[dreg:$0x6] =	wrdreg s25  }
0x11: {  	s23 =	simm.s32 $0x80;
	s1 =	simm.s32 $0x1;
	[dreg:$0x7] =	wrdreg s9  }
.Ltmp0:
0x12: {  	s26 =	sadd.s32 s5, s24;
	s0 =	sadd.s32 s7, s24;
	(pc) =	sbr.rel .LBB2_1-.Ltmp0, $4  }
0x13: {  	v0 =	vlaneseq.u32;
	s24 =	simm.s32 $0x180;
	[dreg:$0x9] =	wrdreg s0;
	s0 =	sshll.u32 @!p0 s11, $0x6  }
0x14: {  	v1 =	vmul.u32 $0x80, v0;
	s9 =	simm.s32 $0x3;
	[dreg:$0x8] =	wrdreg s26;
	s0 =	sor.u32 @!p0 $0x1C09, s0  }
0x15: {  	s26 =	simm.s32 $0x40;
	[dreg:$0xb] =	wrdreg s0;
	s0 =	sshrl.u32 @!p0 s2, $0x3  }
0x16: {  	v2 =	vor.u32 $0x800, v1;
	v3 =	vor.u32 $0x1000, v1;
	v4 =	vor.u32 $0x1800, v1;
	s2 =	simm.s32 $0x2;
	[dreg:$0xc] =	wrdreg s0;
	s0 =	simm.s32 $0x6200  }
.LBB2_8:
0x17: {  	s11 =	simm.s32 $0x7  }
0x18: {  	_ =	swait.ge [sflag:s11], $0x40  }
0x19: {  	[sflag:s11] =	ssyncset.done $0x0  }
0x1a: {  	s12 =	simm.s32 $0x8;
	[sflag:s11] =	ssyncadd.s32 $0xFFFFFFC0  }
0x1b: {  	_ =	swait.ge [sflag:s12], $0x40  }
0x1c: {  	s13 =	sadd.s32 $0x1, s13;
	s25 =	rddreg [dreg:$0xa]  }
0x1d: {  	p1 =	sne.s32 s13, s25  }
.Ltmp1:
0x1e: {  	_ = 	snop;
	(pc) =	sbr.rel @!p1 .LBB2_9-.Ltmp1, $3  }
0x1f: {  	_ =	sdelay $0x1  }
0x20: {  	[sflag:s12] =	ssyncset.done $0x0  }
0x21: {  	[sflag:s12] =	ssyncadd.s32 $0xFFFFFFC0  }
.LBB2_1:
0x22: {  	s11 =	rddreg [dreg:$0x5]  }
0x23: {  	s12 =	rddreg [dreg:$0xb]  }
0x24: {  	s17 =	rddreg [dreg:$0xc]  }
0x25: {  	[spmem:s17], [sflag:s12] =	dma.local @!p0 [hbm:s11], $0x3E80  }
0x26: {  	s11 =	simm.s32 @!p0 $0x9  }
0x27: {  	_ =	swait.ge @!p0 [sflag:s11], $0x3E80  }
0x28: {  	[sflag:s11] =	ssyncset.done @!p0 $0x0  }
0x29: {  	[sflag:s11] =	ssyncadd.s32 @!p0 $0xFFFFC180  }
0x2a: {  	s21 =	simm.s32 $0x8300;
	s25 =	simm.s32 $0x9;
	s11 =	rddreg [dreg:$0x2]  }
0x2b: {  	[tilespmem:s21], [sflag:$0x9] =	stream.linear.gather [hbm4b:s11+s4], $0x4000, $0x38;
	[tilespmem:$0x1FB80] =	vst v63  }
0x2c: {  	_ =	swait.ge [sflag:s25], $0x4000  }
0x2d: {  	[sflag:s25] =	ssyncset.done $0x0  }
0x2e: {  	[sflag:s25] =	ssyncadd.s32 $0xFFFFC000  }
0x2f: {  	[bflag:$0x0] =	sbarrier.arrive $0xFFFF  }
0x30: {  	s12 =	rddreg [dreg:$0x6]  }
0x31: {  	[tilespmem:s4], [sflag:$0x5] =	stream.linear.gather [hbm4b:s12+s4], $0x40, $0x38;
	[tilespmem:$0x1FB80] =	vst v63  }
0x32: {  	s18 =	simm.s32 $0x100;
	s17 =	rddreg [dreg:$0x7]  }
0x33: {  	[tilespmem:s18], [sflag:$0x5] =	stream.linear.gather [hbm4b:s17+s4], $0x40, $0x38;
	[tilespmem:$0x1FB80] =	vst v63  }
0x34: {  	s19 =	rddreg [dreg:$0x8]  }
0x35: {  	[tilespmem:s23], [sflag:$0x6] =	stream.linear.gather [hbm4b:s19+s4], $0x40, $0x38;
	[tilespmem:$0x1FB80] =	vst v63  }
0x36: {  	s25 =	simm.s32 $0x5;
	s21 =	rddreg [dreg:$0x9]  }
0x37: {  	[tilespmem:s24], [sflag:$0x6] =	stream.linear.gather [hbm4b:s21+s4], $0x40, $0x38;
	[tilespmem:$0x1FB80] =	vst v63  }
0x38: {  	_ =	swait.ge [sflag:s25], $0x40  }
0x39: {  	[sflag:s25] =	ssyncset.done $0x0  }
0x3a: {  	[sflag:s25] =	ssyncadd.s32 $0xFFFFFFC0  }
0x3b: {  	_ =	swait.ge [sflag:s25], $0x40  }
0x3c: {  	[sflag:s25] =	ssyncset.done $0x0  }
0x3d: {  	[sflag:s25] =	ssyncadd.s32 $0xFFFFFFC0  }
0x3e: {  	[tilespmem:s28], [sflag:$0x1] =	stream.indirect.gather [spmem:s3], $0x80, s4, s26, $0xb8;
	[tilespmem:$0x1FB80] =	vst v63  }
0x3f: {  	s17 =	simm.s32 $0x0  }
0x40: {  	[tilespmem:s29], [sflag:$0x2] =	stream.indirect.gather [spmem:s3], $0x80, s18, s26, $0xb8;
	[tilespmem:$0x1FB80] =	vst v63  }
.LBB2_2:
0x41: {  	_ =	swait.ge [sflag:s30], $0x40  }
0x42: {  	[sflag:s30] =	ssyncset.done $0x0  }
0x43: {  	[sflag:s30] =	ssyncadd.s32 $0xFFFFFFC0  }
0x44: {  	_ =	swait.ge [sflag:s30], $0x40  }
0x45: {  	[sflag:s30] =	ssyncset.done $0x0  }
0x46: {  	[sflag:s30] =	ssyncadd.s32 $0xFFFFFFC0  }
0x47: {  	[tilespmem:s31], [sflag:$0x3] =	stream.indirect.gather [spmem:s3], $0x80, s23, s26, $0xb8;
	[tilespmem:$0x1FB80] =	vst v63  }
0x48: {  	_ = 	snop  }
0x49: {  	[tilespmem:s0], [sflag:$0x4] =	stream.indirect.gather [spmem:s3], $0x80, s24, s26, $0xb8;
	[tilespmem:$0x1FB80] =	vst v63  }
0x4a: {  	_ =	swait.ge [sflag:s1], $0x2000  }
0x4b: {  	[sflag:s1] =	ssyncset.done $0x0  }
0x4c: {  	[sflag:s1] =	ssyncadd.s32 $0xFFFFE000  }
0x4d: {  	s11 =	simm.s32 $0x1;
	_ =	swait.ge [sflag:s2], $0x2000  }
0x4e: {  	p1 =	seq.s32 s17, $0x0;
	v5 =	vadd.s32 s11, v0;
	[sflag:s2] =	ssyncset.done $0x0  }
0x4f: {  	s12 =	simm.s32 @!p1 $0x7;
	v8 =	vand.u32 $0x7F, v5;
	[sflag:s2] =	ssyncadd.s32 $0xFFFFE000  }
0x50: {  	v9 =	vor.u32 v3, v8;
	_ =	swait.ge @!p1 [sflag:s12], $0x40  }
0x51: {  	s18 =	simm.s32 $0x2;
	v10 =	vor.u32 v4, v8;
	[sflag:s12] =	ssyncset.done @!p1 $0x0  }
0x52: {  	s19 =	simm.s32 $0x8400;
	v7 =	vadd.s32 s18, v0;
	[sflag:s12] =	ssyncadd.s32 @!p1 $0xFFFFFFC0  }
0x53: {  	v11 =	vand.u32 $0x7F, v7;
	v6 =	vld [tilespmem:s19+$0xFFFFFF80]  }
0x54: {  	v12 =	vor.u32 v4, v11;
	v7 =	vld [tilespmem:s19+$0x0]  }
0x55: {  	v13 =	vld.idx.msk [tilespmem:v9+s28+$0x0], $0xffff  }
0x56: {  	s21 =	simm.s32 $0x3;
	v14 =	vor.u32 v3, v11;
	v15 =	vld.idx.msk [tilespmem:v10+s28+$0x0], $0xffff  }
0x57: {  	v17 =	vadd.s32 s21, v0;
	v16 =	vor.u32 v2, v8;
	v10 =	vld.idx.msk [tilespmem:v10+s29+$0x0], $0xffff  }
0x58: {  	v17 =	vand.u32 $0x7F, v17;
	v9 =	vld.idx.msk [tilespmem:v9+s29+$0x0], $0xffff  }
0x59: {  	v19 =	vor.u32 v4, v17;
	v18 =	vld.idx.msk [tilespmem:v12+s29+$0x0], $0xffff  }
0x5a: {  	v8 =	vor.u32 v1, v8;
	v12 =	vld.idx.msk [tilespmem:v12+s28+$0x0], $0xffff  }
0x5b: {  	v20 =	vor.u32 v1, v11;
	v21 =	vld.idx.msk [tilespmem:v14+s28+$0x0], $0xffff  }
0x5c: {  	v22 =	vld.idx.msk [tilespmem:v16+s28+$0x0], $0xffff  }
0x5d: {  	s25 =	simm.s32 $0x0;
	v14 =	vld.idx.msk [tilespmem:v14+s29+$0x0], $0xffff  }
0x5e: {  	v24 =	vadd.s32 s25, v0;
	v25 =	vld.idx.msk [tilespmem:v19+s28+$0x0], $0xffff  }
0x5f: {  	v24 =	vand.u32 $0x7F, v24;
	v23 =	vld.idx.msk [tilespmem:v8+s29+$0x0], $0xffff  }
0x60: {  	v27 =	vor.u32 v1, v24;
	v28 =	vld.idx.msk [tilespmem:v20+s28+$0x0], $0xffff  }
0x61: {  	v20 =	vld.idx.msk [tilespmem:v20+s29+$0x0], $0xffff  }
0x62: {  	v26 =	vor.u32 v2, v11;
	v16 =	vld.idx.msk [tilespmem:v16+s29+$0x0], $0xffff  }
0x63: {  	v8 =	vld.idx.msk [tilespmem:v8+s28+$0x0], $0xffff  }
0x64: {  	v29 =	vor.u32 v4, v24;
	v30 =	vld.idx.msk [tilespmem:v19+s29+$0x0], $0xffff  }
0x65: {  	v11 =	vimm.f32 $0.0e+00;
	v31 =	vld.idx.msk [tilespmem:v27+s28+$0x0], $0xffff  }
0x66: {  	v34 =	vor.u32 v3, v17;
	v35 =	vld.idx.msk [tilespmem:v27+s29+$0x0], $0xffff;
	v10 =	vsub.f32 v15, v10;
	v15 =	vor.u32 v3, v24  }
0x67: {  	v19 =	vor.u32 v2, v17;
	v9 =	vsub.f32 v13, v9;
	v13 =	vld.idx.msk [tilespmem:v26+s29+$0x0], $0xffff;
	v12 =	vsub.f32 v12, v18  }
0x68: {  	v18 =	vld.idx.msk [tilespmem:v26+s28+$0x0], $0xffff;
	v24 =	vor.u32 v2, v24;
	v16 =	vsub.f32 v22, v16;
	v23 =	vsub.f32 v8, v23  }
0x69: {  	v32 =	vld.idx.msk [tilespmem:v29+s29+$0x0], $0xffff;
	v27 =	vsub.f32 v21, v14;
	v28 =	vsub.f32 v28, v20;
	v10 =	vand.u32 $0x7FFFFFFF, v10  }
0x6a: {  	v12 =	vand.u32 $0x7FFFFFFF, v12;
	v8 =	vand.u32 $0x7FFFFFFF, v16;
	v16 =	vld.idx.msk [tilespmem:v29+s28+$0x0], $0xffff;
	v10 =	vadd.s32 $0x8000, v10  }
0x6b: {  	v30 =	vsub.f32 v25, v30;
	v33 =	vand.u32 $0xFFFF0000, v10;
	v10 =	vadd.s32 $0x8000, v12;
	v12 =	vld.idx.msk [tilespmem:v15+s29+$0x0], $0xffff  }
0x6c: {  	v21 =	vsub.f32 v31, v35;
	v9 =	vand.u32 $0x7FFFFFFF, v9;
	v29 =	vor.u32 v1, v17;
	v15 =	vld.idx.msk [tilespmem:v15+s28+$0x0], $0xffff  }
0x6d: {  	v5 =	vld [tilespmem:s19+$0xFFFFFF00];
	v9 =	vadd.s32 $0x8000, v9;
	v8 =	vadd.s32 $0x8000, v8;
	v13 =	vsub.f32 v18, v13  }
0x6e: {  	v9 =	vand.u32 $0xFFFF0000, v9;
	v17 =	vand.u32 $0xFFFF0000, v8;
	v10 =	vand.u32 $0xFFFF0000, v10;
	v22 =	vld.idx.msk [tilespmem:v24+s29+$0x0], $0xffff  }
0x6f: {  	v18 =	vand.u32 $0x7FFFFFFF, v23;
	v26 =	vld.idx.msk [tilespmem:v24+s28+$0x0], $0xffff;
	v8 =	vmul.f32 v10, v7;
	v13 =	vand.u32 $0x7FFFFFFF, v13  }
0x70: {  	v24 =	vld.idx.msk [tilespmem:v34+s29+$0x0], $0xffff;
	v10 =	vmul.f32 v17, v6;
	v23 =	vadd.s32 $0x8000, v18;
	v13 =	vadd.s32 $0x8000, v13  }
0x71: {  	v18 =	vld.idx.msk [tilespmem:v19+s28+$0x0], $0xffff;
	v17 =	vand.u32 $0xFFFF0000, v13;
	v13 =	vsub.f32 v16, v32;
	v12 =	vsub.f32 v15, v12  }
0x72: {  	v9 =	vmul.f32 v9, v6;
	v25 =	vld.idx.msk [tilespmem:v29+s29+$0x0], $0xffff;
	v16 =	vand.u32 $0xFFFF0000, v23;
	v15 =	vimm.f32 $0.0e+00  }
0x73: {  	v23 =	vld.idx.msk [tilespmem:v29+s28+$0x0], $0xffff;
	v31 =	vand.u32 $0x7FFFFFFF, v13;
	v13 =	vimm.f32 $0.0e+00;
	v14 =	vand.u32 $0x7FFFFFFF, v12  }
0x74: {  	s18 =	sshll.u32 s17, $0x7;
	s21 =	simm.s32 $0x4;
	s11 =	simm.s32 $0x8600;
	v29 =	vld.idx.msk [tilespmem:v34+s28+$0x0], $0xffff;
	v12 =	vmul.f32 v33, v6;
	v32 =	vadd.s32 $0x8000, v14;
	v14 =	vimm.f32 $0.0e+00  }
.LBB2_3:
0x75: {  	s25 =	sadd.s32 $0x1, s21  }
0x76: {  	v20 =	vld [tilespmem:s11+$0xFFFFFF00];
	p2 =	slt.u32 s21, $0x7C;
	v22 =	vsub.f32 v26, v22;
	v26 =	vand.u32 $0xFFFF0000, v32;
	v30 =	vand.u32 $0x7FFFFFFF, v30;
	s12 =	smov.u32 s21;
	s21 =	sadd.s32 $0x4, s21  }
0x77: {  	v31 =	vadd.s32 $0x8000, v31;
	v17 =	vmul.f32 v17, v7;
	v32 =	vadd.s32 s25, v0  }
0x78: {  	v28 =	vand.u32 $0x7FFFFFFF, v28;
	v32 =	vand.u32 $0x7F, v32;
	v22 =	vand.u32 $0x7FFFFFFF, v22  }
0x79: {  	v27 =	vand.u32 $0x7FFFFFFF, v27;
	v31 =	vand.u32 $0xFFFF0000, v31;
	v33 =	vor.u32 v3, v32;
	v19 =	vld.idx.msk [tilespmem:v19+s29+$0x0], $0xffff  }
0x7a: {  	s25 =	sadd.s32 $0x2, s12;
	v34 =	vor.u32 v4, v32;
	v24 =	vsub.f32 v29, v24;
	v29 =	vadd.s32 $0x8000, v30  }
0x7b: {  	v26 =	vmul.f32 v26, v5;
	v28 =	vadd.s32 $0x8000, v28;
	v30 =	vadd.s32 s25, v0;
	v35 =	vld [tilespmem:s19+$0x80];
	s19 =	smov.u32 s11  }
0x7c: {  	v23 =	vsub.f32 v23, v25;
	v30 =	vand.u32 $0x7F, v30;
	v25 =	vand.u32 $0xFFFF0000, v29;
	v36 =	vld [tilespmem:s11+$0xFFFFFF80]  }
0x7d: {  	v37 =	vor.u32 v3, v30;
	v38 =	vor.u32 v4, v30;
	v24 =	vand.u32 $0x7FFFFFFF, v24;
	v29 =	vld [tilespmem:s11+$0x0]  }
0x7e: {  	v27 =	vadd.s32 $0x8000, v27;
	v39 =	vor.u32 v2, v32;
	s25 =	sadd.s32 $0x3, s12;
	v24 =	vadd.s32 $0x8000, v24;
	v40 =	vld.idx.msk [tilespmem:v33+s28+$0x0], $0xffff  }
0x7f: {  	v27 =	vand.u32 $0xFFFF0000, v27;
	v42 =	vadd.s32 s25, v0;
	v23 =	vand.u32 $0x7FFFFFFF, v23;
	v41 =	vld.idx.msk [tilespmem:v34+s28+$0x0], $0xffff  }
0x80: {  	v28 =	vand.u32 $0xFFFF0000, v28;
	v42 =	vand.u32 $0x7F, v42;
	v23 =	vadd.s32 $0x8000, v23;
	v34 =	vld.idx.msk [tilespmem:v34+s29+$0x0], $0xffff  }
0x81: {  	v32 =	vor.u32 v1, v32;
	v43 =	vor.u32 v1, v30;
	v23 =	vand.u32 $0xFFFF0000, v23;
	v33 =	vld.idx.msk [tilespmem:v33+s29+$0x0], $0xffff  }
0x82: {  	v45 =	vor.u32 v4, v42;
	v24 =	vand.u32 $0xFFFF0000, v24;
	v25 =	vmul.f32 v25, v35;
	v44 =	vld.idx.msk [tilespmem:v38+s29+$0x0], $0xffff  }
0x83: {  	v21 =	vand.u32 $0x7FFFFFFF, v21;
	v27 =	vmul.f32 v27, v7;
	v24 =	vmul.f32 v24, v35;
	v38 =	vld.idx.msk [tilespmem:v38+s28+$0x0], $0xffff  }
0x84: {  	v46 =	vadd.s32 s12, v0;
	v30 =	vor.u32 v2, v30;
	v18 =	vsub.f32 v18, v19;
	v47 =	vld.idx.msk [tilespmem:v37+s28+$0x0], $0xffff  }
0x85: {  	v21 =	vadd.s32 $0x8000, v21;
	v22 =	vadd.s32 $0x8000, v22;
	v19 =	vand.u32 $0x7F, v46;
	v46 =	vld.idx.msk [tilespmem:v39+s28+$0x0], $0xffff  }
0x86: {  	v48 =	vor.u32 v1, v19;
	v49 =	vor.u32 v2, v19;
	v18 =	vand.u32 $0x7FFFFFFF, v18;
	v37 =	vld.idx.msk [tilespmem:v37+s29+$0x0], $0xffff  }
0x87: {  	v50 =	vor.u32 v4, v19;
	v18 =	vadd.s32 $0x8000, v18;
	v34 =	vsub.f32 v41, v34;
	v41 =	vld.idx.msk [tilespmem:v45+s28+$0x0], $0xffff  }
0x88: {  	v31 =	vmul.f32 v31, v5;
	v51 =	vor.u32 v3, v19;
	v19 =	vsub.f32 v40, v33;
	v52 =	vld.idx.msk [tilespmem:v32+s29+$0x0], $0xffff  }
0x89: {  	v16 =	vmul.f32 v16, v6;
	v6 =	vmovc v36;
	v18 =	vand.u32 $0xFFFF0000, v18;
	v33 =	vand.u32 $0x7FFFFFFF, v34;
	v34 =	vld.idx.msk [tilespmem:v43+s28+$0x0], $0xffff  }
0x8a: {  	v40 =	vmul.f32 v18, v35;
	v19 =	vand.u32 $0x7FFFFFFF, v19;
	v33 =	vadd.s32 $0x8000, v33;
	v36 =	vld.idx.msk [tilespmem:v43+s29+$0x0], $0xffff  }
0x8b: {  	v11 =	vadd.f32 v26, v11;
	v38 =	vsub.f32 v38, v44;
	v33 =	vand.u32 $0xFFFF0000, v33;
	v18 =	vld.idx.msk [tilespmem:v39+s29+$0x0], $0xffff  }
0x8c: {  	v21 =	vand.u32 $0xFFFF0000, v21;
	v23 =	vmul.f32 v23, v35;
	v19 =	vadd.s32 $0x8000, v19;
	v39 =	vld.idx.msk [tilespmem:v45+s29+$0x0], $0xffff  }
0x8d: {  	v22 =	vand.u32 $0xFFFF0000, v22;
	v19 =	vand.u32 $0xFFFF0000, v19;
	v26 =	vld.idx.msk [tilespmem:v32+s28+$0x0], $0xffff;
	v32 =	vand.u32 $0x7FFFFFFF, v38  }
0x8e: {  	v21 =	vmul.f32 v21, v5;
	v35 =	vmul.f32 v19, v6;
	v38 =	vld.idx.msk [tilespmem:v30+s29+$0x0], $0xffff;
	v19 =	vadd.s32 $0x8000, v32  }
0x8f: {  	v11 =	vadd.f32 v9, v11;
	v30 =	vld.idx.msk [tilespmem:v30+s28+$0x0], $0xffff;
	v32 =	vand.u32 $0xFFFF0000, v19;
	v19 =	vmul.f32 v22, v5;
	v5 =	vmovc v20  }
0x90: {  	v13 =	vadd.f32 v31, v13;
	v9 =	vadd.f32 v21, v14;
	v43 =	vor.u32 v1, v42;
	v20 =	vld.idx.msk [tilespmem:v48+s28+$0x0], $0xffff  }
0x91: {  	v14 =	vsub.f32 v46, v18;
	v18 =	vmul.f32 v28, v7;
	v21 =	vld.idx.msk [tilespmem:v50+s29+$0x0], $0xffff;
	v15 =	vadd.f32 v19, v15  }
0x92: {  	v16 =	vadd.f32 v16, v9;
	v44 =	vadd.f32 v12, v13;
	v19 =	vor.u32 v2, v42;
	v28 =	vld.idx.msk [tilespmem:v51+s29+$0x0], $0xffff  }
0x93: {  	v7 =	vmovc v29;
	v12 =	vsub.f32 v26, v52;
	v13 =	vand.u32 $0x7FFFFFFF, v14;
	v22 =	vld.idx.msk [tilespmem:v49+s29+$0x0], $0xffff;
	v14 =	vadd.f32 v10, v15  }
0x94: {  	v31 =	vor.u32 v3, v42;
	v9 =	vmovc v35;
	v10 =	vadd.s32 $0x8000, v13;
	v13 =	vadd.f32 v8, v44;
	v29 =	vld.idx.msk [tilespmem:v51+s28+$0x0], $0xffff  }
0x95: {  	v11 =	vadd.f32 v27, v11;
	v8 =	vmul.f32 v32, v7;
	v10 =	vand.u32 $0xFFFF0000, v10;
	v35 =	vld.idx.msk [tilespmem:v50+s28+$0x0], $0xffff  }
0x96: {  	v16 =	vadd.f32 v18, v16;
	v12 =	vand.u32 $0x7FFFFFFF, v12;
	v15 =	vsub.f32 v30, v38;
	v26 =	vld.idx.msk [tilespmem:v49+s28+$0x0], $0xffff  }
0x97: {  	v11 =	vadd.f32 v24, v11;
	v10 =	vmul.f32 v10, v6;
	v17 =	vadd.f32 v17, v14;
	v32 =	vld.idx.msk [tilespmem:v48+s29+$0x0], $0xffff  }
0x98: {  	v14 =	vadd.f32 v23, v16;
	v13 =	vadd.f32 v25, v13;
	v15 =	vand.u32 $0x7FFFFFFF, v15;
	v18 =	vld.idx.msk [tilespmem:v19+s28+$0x0], $0xffff  }
.Ltmp2:
0x99: {  	v12 =	vadd.s32 $0x8000, v12;
	v16 =	vadd.s32 $0x8000, v15;
	v15 =	vadd.f32 v40, v17;
	v24 =	vld.idx.msk [tilespmem:v31+s29+$0x0], $0xffff;
	(pc) =	sbr.rel @p2 .LBB2_3-.Ltmp2, $4  }
0x9a: {  	v27 =	vsub.f32 v47, v37;
	v17 =	vand.u32 $0xFFFF0000, v16;
	v29 =	vsub.f32 v29, v28;
	v23 =	vld.idx.msk [tilespmem:v43+s28+$0x0], $0xffff  }
0x9b: {  	v16 =	vand.u32 $0xFFFF0000, v12;
	v28 =	vsub.f32 v34, v36;
	v35 =	vsub.f32 v35, v21;
	v25 =	vld.idx.msk [tilespmem:v43+s29+$0x0], $0xffff  }
0x9c: {  	v30 =	vsub.f32 v41, v39;
	v12 =	vmul.f32 v33, v6;
	v34 =	vand.u32 $0x7FFFFFFF, v29;
	v29 =	vld.idx.msk [tilespmem:v31+s28+$0x0], $0xffff  }
0x9d: {  	s11 =	sadd.s32 $0x200, s11;
	v21 =	vsub.f32 v20, v32;
	v32 =	vadd.s32 $0x8000, v34;
	v31 =	vand.u32 $0x7FFFFFFF, v35  }
0x9e: {  	v20 =	vsub.f32 v26, v22;
	v22 =	vand.u32 $0xFFFF0000, v32;
	v26 =	vand.u32 $0x7FFFFFFF, v30  }
0x9f: {  	v30 =	vadd.s32 $0x8000, v31;
	v17 =	vmul.f32 v17, v7;
	v28 =	vand.u32 $0x7FFFFFFF, v28  }
0xa0: {  	v27 =	vand.u32 $0x7FFFFFFF, v27;
	v6 =	vmul.f32 v16, v6;
	v30 =	vand.u32 $0xFFFF0000, v30  }
0xa1: {  	v26 =	vadd.s32 $0x8000, v26;
	v22 =	vmul.f32 v22, v5;
	v28 =	vadd.s32 $0x8000, v28  }
0xa2: {  	v19 =	vld.idx.msk [tilespmem:v19+s29+$0x0], $0xffff;
	v21 =	vand.u32 $0x7FFFFFFF, v21;
	v20 =	vand.u32 $0x7FFFFFFF, v20;
	v23 =	vsub.f32 v23, v25  }
0xa3: {  	v25 =	vand.u32 $0xFFFF0000, v26;
	v26 =	vadd.s32 $0x8000, v27;
	v27 =	vand.u32 $0xFFFF0000, v28  }
0xa4: {  	v21 =	vadd.s32 $0x8000, v21;
	v24 =	vsub.f32 v29, v24;
	v26 =	vand.u32 $0xFFFF0000, v26  }
0xa5: {  	v20 =	vadd.s32 $0x8000, v20;
	v21 =	vand.u32 $0xFFFF0000, v21;
	v11 =	vadd.f32 v22, v11  }
0xa6: {  	v23 =	vand.u32 $0x7FFFFFFF, v23;
	v26 =	vmul.f32 v26, v7;
	v7 =	vmul.f32 v27, v7  }
0xa7: {  	v18 =	vsub.f32 v18, v19;
	v19 =	vand.u32 $0xFFFF0000, v20;
	v20 =	vmul.f32 v21, v5  }
0xa8: {  	v24 =	vand.u32 $0x7FFFFFFF, v24;
	v23 =	vadd.s32 $0x8000, v23;
	v21 =	vld [tilespmem:s19+$0x80];
	v19 =	vmul.f32 v19, v5  }
0xa9: {  	v9 =	vadd.f32 v9, v11;
	v5 =	vmul.f32 v30, v5;
	v14 =	vadd.f32 v20, v14  }
0xaa: {  	v24 =	vadd.s32 $0x8000, v24;
	v18 =	vand.u32 $0x7FFFFFFF, v18;
	v15 =	vadd.f32 v19, v15  }
0xab: {  	v16 =	vadd.s32 $0x8000, v18;
	v5 =	vadd.f32 v5, v13;
	v6 =	vadd.f32 v6, v14  }
0xac: {  	v23 =	vand.u32 $0xFFFF0000, v23;
	v14 =	vand.u32 $0xFFFF0000, v16;
	v10 =	vadd.f32 v10, v15  }
0xad: {  	v13 =	vmul.f32 v23, v21;
	v5 =	vadd.f32 v12, v5;
	v6 =	vadd.f32 v7, v6  }
0xae: {  	v24 =	vand.u32 $0xFFFF0000, v24;
	v7 =	vmul.f32 v14, v21;
	v10 =	vadd.f32 v17, v10  }
0xaf: {  	v12 =	vmul.f32 v25, v21;
	v5 =	vadd.f32 v8, v5;
	v6 =	vadd.f32 v13, v6  }
0xb0: {  	v9 =	vadd.f32 v26, v9;
	v11 =	vmul.f32 v24, v21;
	v7 =	vadd.f32 v7, v10  }
0xb1: {  	v5 =	vadd.f32 v12, v5;
	v6 =	vmax.f32 v6, $0.0e+00  }
0xb2: {  	v8 =	vadd.f32 v11, v9;
	[tilespmem:$0x8200] =	vst v6;
	v6 =	vmax.f32 v7, $0.0e+00  }
0xb3: {  	s11 =	sadd.s32 s6, s18;
	v5 =	vmax.f32 v5, $0.0e+00;
	[tilespmem:$0x8210] =	vst v6  }
0xb4: {  	s11 =	sshrl.u32 s11, $0x3;
	v6 =	vmax.f32 v8, $0.0e+00;
	[tilespmem:$0x8230] =	vst v5  }
0xb5: {  	p2 =	seq.s32 s17, $0x4F;
	s11 =	sadd.s32 s8, s11;
	[tilespmem:$0x8220] =	vst v6  }
0xb6: {  	[hbm4b:s11+s4] =	stream.linear.scatter [tilespmem:s20], [sflag:$0x7], $0x40, $0x38;
	[tilespmem:$0x1FB80] =	vst v63  }
0xb7: {  	s11 =	sadd.s32 @!p2 s18, s14  }
0xb8: {  	s11 =	sshrl.u32 @!p2 s11, $0x3  }
0xb9: {  	s19 =	simm.s32 @!p2 $0x0;
	s12 =	sadd.s32 @!p2 s5, s11  }
0xba: {  	[tilespmem:s19], [sflag:$0x5] =	stream.linear.gather @!p2 [hbm4b:s12+s19], $0x40, $0x38;
	[tilespmem:$0x1FB80] =	vst v63  }
0xbb: {  	s11 =	sadd.s32 @!p2 s7, s11;
	s12 =	simm.s32 @!p2 $0x100  }
0xbc: {  	[tilespmem:s12], [sflag:$0x5] =	stream.linear.gather @!p2 [hbm4b:s11+s19], $0x40, $0x38;
	[tilespmem:$0x1FB80] =	vst v63  }
0xbd: {  	s11 =	simm.s32 @!p2 $0x5  }
0xbe: {  	_ =	swait.ge @!p2 [sflag:s11], $0x40  }
0xbf: {  	[sflag:s11] =	ssyncset.done @!p2 $0x0  }
0xc0: {  	[sflag:s11] =	ssyncadd.s32 @!p2 $0xFFFFFFC0  }
0xc1: {  	_ =	swait.ge @!p2 [sflag:s11], $0x40  }
0xc2: {  	[sflag:s11] =	ssyncset.done @!p2 $0x0  }
0xc3: {  	s21 =	simm.s32 @!p2 $0x200;
	[sflag:s11] =	ssyncadd.s32 @!p2 $0xFFFFFFC0;
	s11 =	simm.s32 @!p2 $0x40  }
0xc4: {  	[tilespmem:s21], [sflag:$0x1] =	stream.indirect.gather @!p2 [spmem:s3], $0x80, s19, s11, $0xb8;
	[tilespmem:$0x1FB80] =	vst v63  }
0xc5: {  	s19 =	simm.s32 @!p2 $0x2200  }
0xc6: {  	[tilespmem:s19], [sflag:$0x2] =	stream.indirect.gather @!p2 [spmem:s3], $0x80, s12, s11, $0xb8;
	[tilespmem:$0x1FB80] =	vst v63  }
0xc7: {  	_ =	swait.ge [sflag:s9], $0x2000  }
0xc8: {  	[sflag:s9] =	ssyncset.done $0x0  }
0xc9: {  	s25 =	simm.s32 $0x1;
	[sflag:s9] =	ssyncadd.s32 $0xFFFFE000  }
0xca: {  	v5 =	vadd.s32 s25, v0;
	_ =	swait.ge [sflag:s22], $0x2000  }
0xcb: {  	v8 =	vand.u32 $0x7F, v5;
	[sflag:s22] =	ssyncset.done $0x0  }
0xcc: {  	v9 =	vor.u32 v3, v8;
	s12 =	simm.s32 @!p1 $0x8;
	[sflag:s22] =	ssyncadd.s32 $0xFFFFE000  }
0xcd: {  	v10 =	vor.u32 v4, v8;
	_ =	swait.ge @!p1 [sflag:s12], $0x40  }
0xce: {  	s21 =	simm.s32 $0x3;
	[sflag:s12] =	ssyncset.done @!p1 $0x0  }
0xcf: {  	v17 =	vadd.s32 s21, v0;
	s19 =	simm.s32 $0x8400;
	[sflag:s12] =	ssyncadd.s32 @!p1 $0xFFFFFFC0  }
0xd0: {  	v16 =	vor.u32 v2, v8;
	v17 =	vand.u32 $0x7F, v17;
	v6 =	vld [tilespmem:s19+$0xFFFFFF80]  }
0xd1: {  	v19 =	vor.u32 v4, v17;
	v13 =	vld.idx.msk [tilespmem:v9+s31+$0x0], $0xffff  }
0xd2: {  	v8 =	vor.u32 v1, v8;
	v15 =	vld.idx.msk [tilespmem:v10+s31+$0x0], $0xffff  }
0xd3: {  	s25 =	simm.s32 $0x0;
	v10 =	vld.idx.msk [tilespmem:v10+s0+$0x0], $0xffff  }
0xd4: {  	v24 =	vadd.s32 s25, v0;
	v9 =	vld.idx.msk [tilespmem:v9+s0+$0x0], $0xffff  }
0xd5: {  	v24 =	vand.u32 $0x7F, v24;
	v22 =	vld.idx.msk [tilespmem:v16+s31+$0x0], $0xffff  }
0xd6: {  	v27 =	vor.u32 v1, v24;
	s12 =	simm.s32 $0x2;
	v25 =	vld.idx.msk [tilespmem:v19+s31+$0x0], $0xffff  }
0xd7: {  	v29 =	vor.u32 v4, v24;
	v7 =	vadd.s32 s12, v0;
	v23 =	vld.idx.msk [tilespmem:v8+s0+$0x0], $0xffff  }
0xd8: {  	v16 =	vld.idx.msk [tilespmem:v16+s0+$0x0], $0xffff;
	v11 =	vand.u32 $0x7F, v7  }
0xd9: {  	v30 =	vld.idx.msk [tilespmem:v19+s0+$0x0], $0xffff;
	v12 =	vor.u32 v4, v11  }
0xda: {  	v8 =	vld.idx.msk [tilespmem:v8+s31+$0x0], $0xffff  }
0xdb: {  	v31 =	vld.idx.msk [tilespmem:v27+s31+$0x0], $0xffff  }
0xdc: {  	v63 =	vld.idx.msk [tilespmem:v29+s0+$0x0], $0xffff;
	v14 =	vor.u32 v3, v11  }
0xdd: {  	v35 =	vld.idx.msk [tilespmem:v27+s0+$0x0], $0xffff  }
0xde: {  	v20 =	vor.u32 v1, v11;
	v18 =	vld.idx.msk [tilespmem:v12+s0+$0x0], $0xffff  }
0xdf: {  	v12 =	vld.idx.msk [tilespmem:v12+s31+$0x0], $0xffff  }
0xe0: {  	v7 =	vld [tilespmem:s19+$0x0];
	v26 =	vor.u32 v2, v11  }
0xe1: {  	v21 =	vld.idx.msk [tilespmem:v14+s31+$0x0], $0xffff  }
0xe2: {  	v10 =	vsub.f32 v15, v10;
	v15 =	vor.u32 v3, v24;
	v14 =	vld.idx.msk [tilespmem:v14+s0+$0x0], $0xffff  }
0xe3: {  	v34 =	vor.u32 v3, v17;
	v19 =	vor.u32 v2, v17;
	v28 =	vld.idx.msk [tilespmem:v20+s31+$0x0], $0xffff  }
0xe4: {  	v11 =	vimm.f32 $0.0e+00;
	v9 =	vsub.f32 v13, v9;
	v20 =	vld.idx.msk [tilespmem:v20+s0+$0x0], $0xffff;
	v12 =	vsub.f32 v12, v18  }
0xe5: {  	v24 =	vor.u32 v2, v24;
	v16 =	vsub.f32 v22, v16;
	v13 =	vld.idx.msk [tilespmem:v26+s0+$0x0], $0xffff;
	v10 =	vand.u32 $0x7FFFFFFF, v10  }
0xe6: {  	v23 =	vsub.f32 v8, v23;
	v10 =	vadd.s32 $0x8000, v10;
	v18 =	vld.idx.msk [tilespmem:v26+s31+$0x0], $0xffff;
	v12 =	vand.u32 $0x7FFFFFFF, v12  }
0xe7: {  	v9 =	vand.u32 $0x7FFFFFFF, v9;
	v33 =	vand.u32 $0xFFFF0000, v10;
	v10 =	vadd.s32 $0x8000, v12;
	v12 =	vld.idx.msk [tilespmem:v15+s0+$0x0], $0xffff  }
0xe8: {  	v30 =	vsub.f32 v25, v30;
	v8 =	vand.u32 $0x7FFFFFFF, v16;
	v9 =	vadd.s32 $0x8000, v9;
	v15 =	vld.idx.msk [tilespmem:v15+s31+$0x0], $0xffff  }
0xe9: {  	v16 =	vld.idx.msk [tilespmem:v29+s31+$0x0], $0xffff;
	v29 =	vor.u32 v1, v17;
	v8 =	vadd.s32 $0x8000, v8;
	v9 =	vand.u32 $0xFFFF0000, v9  }
0xea: {  	v5 =	vld [tilespmem:s19+$0xFFFFFF00];
	v17 =	vand.u32 $0xFFFF0000, v8;
	v9 =	vmul.f32 v9, v6;
	v27 =	vsub.f32 v21, v14  }
0xeb: {  	v22 =	vld.idx.msk [tilespmem:v24+s0+$0x0], $0xffff;
	v28 =	vsub.f32 v28, v20;
	v10 =	vand.u32 $0xFFFF0000, v10;
	v13 =	vsub.f32 v18, v13  }
0xec: {  	v26 =	vld.idx.msk [tilespmem:v24+s31+$0x0], $0xffff;
	v21 =	vsub.f32 v31, v35;
	v8 =	vmul.f32 v10, v7;
	v18 =	vand.u32 $0x7FFFFFFF, v23  }
0xed: {  	v24 =	vld.idx.msk [tilespmem:v34+s0+$0x0], $0xffff;
	v10 =	vmul.f32 v17, v6;
	v13 =	vand.u32 $0x7FFFFFFF, v13;
	v12 =	vsub.f32 v15, v12  }
0xee: {  	v25 =	vld.idx.msk [tilespmem:v29+s0+$0x0], $0xffff;
	v23 =	vadd.s32 $0x8000, v18;
	v13 =	vadd.s32 $0x8000, v13;
	v15 =	vimm.f32 $0.0e+00  }
0xef: {  	v18 =	vld.idx.msk [tilespmem:v19+s31+$0x0], $0xffff;
	v17 =	vand.u32 $0xFFFF0000, v13;
	v13 =	vsub.f32 v16, v63;
	v14 =	vand.u32 $0x7FFFFFFF, v12  }
0xf0: {  	v16 =	vand.u32 $0xFFFF0000, v23;
	v23 =	vld.idx.msk [tilespmem:v29+s31+$0x0], $0xffff;
	v12 =	vmul.f32 v33, v6;
	v32 =	vadd.s32 $0x8000, v14  }
0xf1: {  	s21 =	simm.s32 $0x4;
	s11 =	simm.s32 $0x8600;
	v29 =	vld.idx.msk [tilespmem:v34+s31+$0x0], $0xffff;
	v31 =	vand.u32 $0x7FFFFFFF, v13;
	v14 =	vimm.f32 $0.0e+00;
	v13 =	vimm.f32 $0.0e+00  }
.LBB2_5:
0xf2: {  	s25 =	sadd.s32 $0x1, s21  }
0xf3: {  	v20 =	vld [tilespmem:s11+$0xFFFFFF00];
	p1 =	slt.u32 s21, $0x7C;
	v22 =	vsub.f32 v26, v22;
	v26 =	vand.u32 $0xFFFF0000, v32;
	v30 =	vand.u32 $0x7FFFFFFF, v30;
	s12 =	smov.u32 s21;
	s21 =	sadd.s32 $0x4, s21  }
0xf4: {  	v31 =	vadd.s32 $0x8000, v31;
	v17 =	vmul.f32 v17, v7;
	v32 =	vadd.s32 s25, v0  }
0xf5: {  	v28 =	vand.u32 $0x7FFFFFFF, v28;
	v32 =	vand.u32 $0x7F, v32;
	v22 =	vand.u32 $0x7FFFFFFF, v22  }
0xf6: {  	v27 =	vand.u32 $0x7FFFFFFF, v27;
	v31 =	vand.u32 $0xFFFF0000, v31;
	v33 =	vor.u32 v3, v32;
	v19 =	vld.idx.msk [tilespmem:v19+s0+$0x0], $0xffff  }
0xf7: {  	s25 =	sadd.s32 $0x2, s12;
	v34 =	vor.u32 v4, v32;
	v24 =	vsub.f32 v29, v24;
	v29 =	vadd.s32 $0x8000, v30  }
0xf8: {  	v26 =	vmul.f32 v26, v5;
	v28 =	vadd.s32 $0x8000, v28;
	v30 =	vadd.s32 s25, v0;
	v35 =	vld [tilespmem:s19+$0x80];
	s19 =	smov.u32 s11  }
0xf9: {  	v23 =	vsub.f32 v23, v25;
	v30 =	vand.u32 $0x7F, v30;
	v25 =	vand.u32 $0xFFFF0000, v29;
	v36 =	vld [tilespmem:s11+$0xFFFFFF80]  }
0xfa: {  	v37 =	vor.u32 v3, v30;
	v38 =	vor.u32 v4, v30;
	v24 =	vand.u32 $0x7FFFFFFF, v24;
	v29 =	vld [tilespmem:s11+$0x0]  }
0xfb: {  	v27 =	vadd.s32 $0x8000, v27;
	v39 =	vor.u32 v2, v32;
	s25 =	sadd.s32 $0x3, s12;
	v24 =	vadd.s32 $0x8000, v24;
	v40 =	vld.idx.msk [tilespmem:v33+s31+$0x0], $0xffff  }
0xfc: {  	v27 =	vand.u32 $0xFFFF0000, v27;
	v42 =	vadd.s32 s25, v0;
	v23 =	vand.u32 $0x7FFFFFFF, v23;
	v41 =	vld.idx.msk [tilespmem:v34+s31+$0x0], $0xffff  }
0xfd: {  	v28 =	vand.u32 $0xFFFF0000, v28;
	v42 =	vand.u32 $0x7F, v42;
	v23 =	vadd.s32 $0x8000, v23;
	v34 =	vld.idx.msk [tilespmem:v34+s0+$0x0], $0xffff  }
0xfe: {  	v32 =	vor.u32 v1, v32;
	v43 =	vor.u32 v1, v30;
	v23 =	vand.u32 $0xFFFF0000, v23;
	v33 =	vld.idx.msk [tilespmem:v33+s0+$0x0], $0xffff  }
0xff: {  	v45 =	vor.u32 v4, v42;
	v24 =	vand.u32 $0xFFFF0000, v24;
	v25 =	vmul.f32 v25, v35;
	v44 =	vld.idx.msk [tilespmem:v38+s0+$0x0], $0xffff  }
0x100: {  	v21 =	vand.u32 $0x7FFFFFFF, v21;
	v27 =	vmul.f32 v27, v7;
	v24 =	vmul.f32 v24, v35;
	v38 =	vld.idx.msk [tilespmem:v38+s31+$0x0], $0xffff  }
0x101: {  	v46 =	vadd.s32 s12, v0;
	v30 =	vor.u32 v2, v30;
	v18 =	vsub.f32 v18, v19;
	v47 =	vld.idx.msk [tilespmem:v37+s31+$0x0], $0xffff  }
0x102: {  	v21 =	vadd.s32 $0x8000, v21;
	v22 =	vadd.s32 $0x8000, v22;
	v19 =	vand.u32 $0x7F, v46;
	v46 =	vld.idx.msk [tilespmem:v39+s31+$0x0], $0xffff  }
0x103: {  	v48 =	vor.u32 v1, v19;
	v49 =	vor.u32 v2, v19;
	v18 =	vand.u32 $0x7FFFFFFF, v18;
	v37 =	vld.idx.msk [tilespmem:v37+s0+$0x0], $0xffff  }
0x104: {  	v50 =	vor.u32 v4, v19;
	v18 =	vadd.s32 $0x8000, v18;
	v34 =	vsub.f32 v41, v34;
	v41 =	vld.idx.msk [tilespmem:v45+s31+$0x0], $0xffff  }
0x105: {  	v31 =	vmul.f32 v31, v5;
	v51 =	vor.u32 v3, v19;
	v19 =	vsub.f32 v40, v33;
	v52 =	vld.idx.msk [tilespmem:v32+s0+$0x0], $0xffff  }
0x106: {  	v16 =	vmul.f32 v16, v6;
	v6 =	vmovc v36;
	v18 =	vand.u32 $0xFFFF0000, v18;
	v33 =	vand.u32 $0x7FFFFFFF, v34;
	v34 =	vld.idx.msk [tilespmem:v43+s31+$0x0], $0xffff  }
0x107: {  	v40 =	vmul.f32 v18, v35;
	v19 =	vand.u32 $0x7FFFFFFF, v19;
	v33 =	vadd.s32 $0x8000, v33;
	v36 =	vld.idx.msk [tilespmem:v43+s0+$0x0], $0xffff  }
0x108: {  	v11 =	vadd.f32 v26, v11;
	v38 =	vsub.f32 v38, v44;
	v33 =	vand.u32 $0xFFFF0000, v33;
	v18 =	vld.idx.msk [tilespmem:v39+s0+$0x0], $0xffff  }
0x109: {  	v21 =	vand.u32 $0xFFFF0000, v21;
	v23 =	vmul.f32 v23, v35;
	v19 =	vadd.s32 $0x8000, v19;
	v39 =	vld.idx.msk [tilespmem:v45+s0+$0x0], $0xffff  }
0x10a: {  	v22 =	vand.u32 $0xFFFF0000, v22;
	v19 =	vand.u32 $0xFFFF0000, v19;
	v26 =	vld.idx.msk [tilespmem:v32+s31+$0x0], $0xffff;
	v32 =	vand.u32 $0x7FFFFFFF, v38  }
0x10b: {  	v21 =	vmul.f32 v21, v5;
	v35 =	vmul.f32 v19, v6;
	v38 =	vld.idx.msk [tilespmem:v30+s0+$0x0], $0xffff;
	v19 =	vadd.s32 $0x8000, v32  }
0x10c: {  	v11 =	vadd.f32 v9, v11;
	v30 =	vld.idx.msk [tilespmem:v30+s31+$0x0], $0xffff;
	v32 =	vand.u32 $0xFFFF0000, v19;
	v19 =	vmul.f32 v22, v5;
	v5 =	vmovc v20  }
0x10d: {  	v13 =	vadd.f32 v31, v13;
	v9 =	vadd.f32 v21, v14;
	v43 =	vor.u32 v1, v42;
	v20 =	vld.idx.msk [tilespmem:v48+s31+$0x0], $0xffff  }
0x10e: {  	v14 =	vsub.f32 v46, v18;
	v18 =	vmul.f32 v28, v7;
	v21 =	vld.idx.msk [tilespmem:v50+s0+$0x0], $0xffff;
	v15 =	vadd.f32 v19, v15  }
0x10f: {  	v16 =	vadd.f32 v16, v9;
	v44 =	vadd.f32 v12, v13;
	v19 =	vor.u32 v2, v42;
	v28 =	vld.idx.msk [tilespmem:v51+s0+$0x0], $0xffff  }
0x110: {  	v7 =	vmovc v29;
	v12 =	vsub.f32 v26, v52;
	v13 =	vand.u32 $0x7FFFFFFF, v14;
	v22 =	vld.idx.msk [tilespmem:v49+s0+$0x0], $0xffff;
	v14 =	vadd.f32 v10, v15  }
0x111: {  	v31 =	vor.u32 v3, v42;
	v9 =	vmovc v35;
	v10 =	vadd.s32 $0x8000, v13;
	v13 =	vadd.f32 v8, v44;
	v29 =	vld.idx.msk [tilespmem:v51+s31+$0x0], $0xffff  }
0x112: {  	v11 =	vadd.f32 v27, v11;
	v8 =	vmul.f32 v32, v7;
	v10 =	vand.u32 $0xFFFF0000, v10;
	v35 =	vld.idx.msk [tilespmem:v50+s31+$0x0], $0xffff  }
0x113: {  	v16 =	vadd.f32 v18, v16;
	v12 =	vand.u32 $0x7FFFFFFF, v12;
	v15 =	vsub.f32 v30, v38;
	v26 =	vld.idx.msk [tilespmem:v49+s31+$0x0], $0xffff  }
0x114: {  	v11 =	vadd.f32 v24, v11;
	v10 =	vmul.f32 v10, v6;
	v17 =	vadd.f32 v17, v14;
	v32 =	vld.idx.msk [tilespmem:v48+s0+$0x0], $0xffff  }
0x115: {  	v14 =	vadd.f32 v23, v16;
	v13 =	vadd.f32 v25, v13;
	v15 =	vand.u32 $0x7FFFFFFF, v15;
	v18 =	vld.idx.msk [tilespmem:v19+s31+$0x0], $0xffff  }
.Ltmp3:
0x116: {  	v12 =	vadd.s32 $0x8000, v12;
	v16 =	vadd.s32 $0x8000, v15;
	v15 =	vadd.f32 v40, v17;
	v24 =	vld.idx.msk [tilespmem:v31+s0+$0x0], $0xffff;
	(pc) =	sbr.rel @p1 .LBB2_5-.Ltmp3, $4  }
0x117: {  	v27 =	vsub.f32 v47, v37;
	v17 =	vand.u32 $0xFFFF0000, v16;
	v29 =	vsub.f32 v29, v28;
	v23 =	vld.idx.msk [tilespmem:v43+s31+$0x0], $0xffff  }
0x118: {  	v16 =	vand.u32 $0xFFFF0000, v12;
	v28 =	vsub.f32 v34, v36;
	v35 =	vsub.f32 v35, v21;
	v25 =	vld.idx.msk [tilespmem:v43+s0+$0x0], $0xffff  }
0x119: {  	v30 =	vsub.f32 v41, v39;
	v12 =	vmul.f32 v33, v6;
	v34 =	vand.u32 $0x7FFFFFFF, v29;
	v29 =	vld.idx.msk [tilespmem:v31+s31+$0x0], $0xffff  }
0x11a: {  	s11 =	sadd.s32 $0x200, s11;
	v21 =	vsub.f32 v20, v32;
	v32 =	vadd.s32 $0x8000, v34;
	v31 =	vand.u32 $0x7FFFFFFF, v35  }
0x11b: {  	v20 =	vsub.f32 v26, v22;
	v49 =	vand.u32 $0xFFFF0000, v32;
	v50 =	vand.u32 $0x7FFFFFFF, v30  }
0x11c: {  	v51 =	vadd.s32 $0x8000, v31;
	v17 =	vmul.f32 v17, v7;
	v28 =	vand.u32 $0x7FFFFFFF, v28  }
0x11d: {  	v27 =	vand.u32 $0x7FFFFFFF, v27;
	v6 =	vmul.f32 v16, v6;
	v30 =	vand.u32 $0xFFFF0000, v51  }
0x11e: {  	v26 =	vadd.s32 $0x8000, v50;
	v22 =	vmul.f32 v49, v5;
	v28 =	vadd.s32 $0x8000, v28  }
0x11f: {  	v53 =	vadd.s32 $0x8000, v27;
	v21 =	vand.u32 $0x7FFFFFFF, v21;
	v20 =	vand.u32 $0x7FFFFFFF, v20  }
0x120: {  	v19 =	vld.idx.msk [tilespmem:v19+s0+$0x0], $0xffff;
	v23 =	vsub.f32 v23, v25;
	v52 =	vand.u32 $0xFFFF0000, v26;
	v26 =	vand.u32 $0xFFFF0000, v53  }
0x121: {  	v54 =	vand.u32 $0xFFFF0000, v28;
	v21 =	vadd.s32 $0x8000, v21;
	v24 =	vsub.f32 v29, v24  }
0x122: {  	v57 =	vld [tilespmem:s19+$0x80];
	v20 =	vadd.s32 $0x8000, v20;
	v21 =	vand.u32 $0xFFFF0000, v21;
	v26 =	vmul.f32 v26, v7  }
0x123: {  	v11 =	vadd.f32 v22, v11;
	v7 =	vmul.f32 v54, v7;
	v23 =	vand.u32 $0x7FFFFFFF, v23  }
0x124: {  	v55 =	vand.u32 $0xFFFF0000, v20;
	v56 =	vmul.f32 v21, v5;
	v24 =	vand.u32 $0x7FFFFFFF, v24  }
0x125: {  	v23 =	vadd.s32 $0x8000, v23;
	v18 =	vsub.f32 v18, v19;
	v19 =	vmul.f32 v55, v5  }
0x126: {  	v5 =	vmul.f32 v30, v5;
	v9 =	vadd.f32 v9, v11;
	v14 =	vadd.f32 v56, v14  }
0x127: {  	v62 =	vmul.f32 v52, v57;
	v23 =	vand.u32 $0xFFFF0000, v23;
	v15 =	vadd.f32 v19, v15  }
0x128: {  	v18 =	vand.u32 $0x7FFFFFFF, v18;
	v5 =	vadd.f32 v5, v13;
	v6 =	vadd.f32 v6, v14  }
0x129: {  	v60 =	vmul.f32 v23, v57;
	v58 =	vadd.s32 $0x8000, v18;
	v10 =	vadd.f32 v10, v15  }
0x12a: {  	v59 =	vand.u32 $0xFFFF0000, v58;
	v5 =	vadd.f32 v12, v5;
	v6 =	vadd.f32 v7, v6  }
0x12b: {  	v24 =	vadd.s32 $0x8000, v24;
	v7 =	vmul.f32 v59, v57;
	v10 =	vadd.f32 v17, v10  }
0x12c: {  	v24 =	vand.u32 $0xFFFF0000, v24;
	v5 =	vadd.f32 v8, v5;
	v6 =	vadd.f32 v60, v6  }
0x12d: {  	v9 =	vadd.f32 v26, v9;
	v61 =	vmul.f32 v24, v57;
	v7 =	vadd.f32 v7, v10  }
0x12e: {  	v5 =	vadd.f32 v62, v5;
	v6 =	vmax.f32 v6, $0.0e+00  }
.Ltmp4:
0x12f: {  	v63 =	vadd.f32 v61, v9;
	[tilespmem:$0x8280] =	vst v6;
	v6 =	vmax.f32 v7, $0.0e+00;
	(pc) =	sbr.rel @p2 .LBB2_8-.Ltmp4, $4  }
0x130: {  	s11 =	sadd.s32 s18, s15;
	v5 =	vmax.f32 v5, $0.0e+00;
	[tilespmem:$0x8290] =	vst v6  }
0x131: {  	s11 =	sshrl.u32 s11, $0x3;
	v6 =	vmax.f32 v63, $0.0e+00;
	[tilespmem:$0x82B0] =	vst v5  }
0x132: {  	s11 =	sadd.s32 s8, s11;
	[tilespmem:$0x82A0] =	vst v6  }
0x133: {  	[hbm4b:s11+s4] =	stream.linear.scatter [tilespmem:s10], [sflag:$0x8], $0x40, $0x38;
	[tilespmem:$0x1FB80] =	vst v63  }
0x134: {  	s11 =	sadd.s32 s18, s16  }
.Ltmp5:
0x135: {  	s11 =	sshrl.u32 s11, $0x3;
	(pc) =	sbr.rel .LBB2_2-.Ltmp5, $4  }
0x136: {  	s12 =	sadd.s32 s5, s11  }
0x137: {  	[tilespmem:s23], [sflag:$0x6] =	stream.linear.gather [hbm4b:s12+s4], $0x40, $0x38;
	[tilespmem:$0x1FB80] =	vst v63  }
0x138: {  	s17 =	sadd.s32 $0x1, s17;
	s11 =	sadd.s32 s7, s11  }
0x139: {  	[tilespmem:s24], [sflag:$0x6] =	stream.linear.gather [hbm4b:s11+s4], $0x40, $0x38;
	[tilespmem:$0x1FB80] =	vst v63  }
.LBB2_9:
0x13a: {  	_ =	sfence.sel $0x180000  }
0x13b: {  	[bflag:$0x0] =	sbarrier.arrive $0xFFFF  }
0x13c: {  	_ =	strace $0x90000047  }
0x13d: {  	s0 =	stileid.u32;
	[bflag:$0x2] =	sbarrier.arrive $0xFFFF  }
0x13e: {  	p0 =	sne.s32 s0, $0x0;
	s0 =	rddreg [dreg:$0x4]  }
0x13f: {  	s0 =	sadd.s32 @!p0 $0x100000, s0  }
0x140: {  	[sflag:s0] =	ssyncadd.tile.s32 @!p0 $0x1;
	_ =	shalt  }
.Lfunc_end2:
_tile_overlayer_lowered:
.L_overlay_start_2:
0x141: {  	(tag) =	ssettag $0x2  }
0x142: {  	s0 =	rddreg [dreg:$0x0];
	s2 =	stileid.u32  }
0x143: {  	s1 =	rddreg [dreg:$0x1];
	p0 =	sne.s32 s2, $0x0  }
0x144: {  	s3 =	rddreg [dreg:$0x2];
	[bflag:$0x3] =	sbarrier.arrive $0xFFFF;
	s2 =	simm.s32 @!p0 $0x1C09  }
0x145: {  	[timem:s3], [sflag:s2] =	dma.local @!p0 [hbm:s0], s1  }
0x146: {  	s0 =	simm.s32 @!p0 $0x9  }
0x147: {  	_ =	swait.ge @!p0 [sflag:s0], s1  }
0x148: {  	s1 =	ssub.s32 @!p0 $0x0, s1;
	[sflag:s0] =	ssyncset.done @!p0 $0x0  }
0x149: {  	[sflag:s0] =	ssyncadd.s32 @!p0 s1  }
0x14a: {  	[bflag:$0x3] =	sbarrier.arrive $0xFFFF  }
0x14b: {  	_ =	shalt  }

</sc_bundles>
